<compile_context>
chip_gen: v7x
topology: tpu7x:2x2x1
jax: 0.10.2.dev20260603
libtpu: 0.0.44.dev20260713+nightly
codegen_flags: <defaults>
</compile_context>

<pallas_src>
import functools

import jax
import jax.numpy as jnp
import numpy as np
from jax import lax
from jax.experimental import pallas as pl
from jax.experimental.pallas import tpu as pltpu
from jax.experimental.pallas import tpu_sc as plsc

M = 2048
DP = 128
R = 5000
NP = 5120
NT = 512
BIGIDX = 2147483647


def _tf_rounds(x0, x1, rots):
    for r in rots:
        x0 = x0 + x1
        x1 = (x1 << np.uint32(r)) | (x1 >> np.uint32(32 - r))
        x1 = x0 ^ x1
    return x0, x1


def _gumbel_tile(flat_u32):
    k1 = np.uint32(0)
    k2 = np.uint32(42)
    k3 = k1 ^ k2 ^ np.uint32(0x1BD11BDA)
    rot0 = (13, 15, 26, 6)
    rot1 = (17, 29, 16, 24)
    x0 = jnp.zeros_like(flat_u32) + k1
    x1 = flat_u32 + k2
    x0, x1 = _tf_rounds(x0, x1, rot0)
    x0 = x0 + k2
    x1 = x1 + k3 + np.uint32(1)
    x0, x1 = _tf_rounds(x0, x1, rot1)
    x0 = x0 + k3
    x1 = x1 + k1 + np.uint32(2)
    x0, x1 = _tf_rounds(x0, x1, rot0)
    x0 = x0 + k1
    x1 = x1 + k2 + np.uint32(3)
    x0, x1 = _tf_rounds(x0, x1, rot1)
    x0 = x0 + k2
    x1 = x1 + k3 + np.uint32(4)
    x0, x1 = _tf_rounds(x0, x1, rot0)
    x0 = x0 + k3
    x1 = x1 + k1 + np.uint32(5)
    bits = x0 ^ x1
    float_bits = (bits >> np.uint32(9)) | np.uint32(0x3F800000)
    f = lax.bitcast_convert_type(float_bits, jnp.float32) - np.float32(1.0)
    tiny = np.float32(np.finfo(np.float32).tiny)
    u = jnp.maximum(tiny, f * (np.float32(1.0) - tiny) + tiny)
    return -jnp.log(-jnp.log(u))


def _stage1_body(x_ref, nz_ref, sv_ref, s2_ref, ts_ref,
                 bv_ref, bi_ref, nt_ref, x2_ref):
    j = pl.program_id(0)

    @pl.when(j == 0)
    def _():
        x2_ref[...] = jnp.sum(x_ref[...] ** 2, axis=1, keepdims=True)

    ab = lax.dot_general(x_ref[...], sv_ref[...],
                         (((1,), (1,)), ((), ())),
                         preferred_element_type=jnp.float32)
    sq = (x2_ref[...] + s2_ref[0:1, :]) - 2.0 * ab
    dist = jnp.maximum(sq, 0.0)
    mask = dist < ts_ref[:, 0:1]
    row = lax.broadcasted_iota(jnp.int32, (M, NT), 0)
    colg = lax.broadcasted_iota(jnp.int32, (M, NT), 1) + j * NT
    flat = (row * (R + 1) + colg).astype(jnp.uint32)
    g = _gumbel_tile(flat)
    cand = jnp.where(mask, g, -jnp.inf)
    tile_max = jnp.max(cand, axis=1, keepdims=True)
    tile_arg = jnp.min(jnp.where(cand == tile_max, colg, BIGIDX),
                       axis=1, keepdims=True)

    @pl.when(j == 0)
    def _():
        bv_ref[...] = tile_max
        bi_ref[...] = tile_arg
        nt_ref[...] = ts_ref[:, 1:2] * nz_ref[...]

    @pl.when(j > 0)
    def _():
        better = tile_max > bv_ref[...]
        bv_ref[...] = jnp.maximum(bv_ref[...], tile_max)
        bi_ref[...] = jnp.where(better, tile_arg, bi_ref[...])


SVOFF = 2 * M // NT


def _stage1(table, s2rep, tscol):
    return pl.pallas_call(
        _stage1_body,
        grid=(NP // NT,),
        in_specs=[
            pl.BlockSpec((M, DP), lambda j: (0, 0)),
            pl.BlockSpec((M, DP), lambda j: (1, 0)),
            pl.BlockSpec((NT, DP), lambda j: (SVOFF + j, 0)),
            pl.BlockSpec((1, NT), lambda j: (0, j)),
            pl.BlockSpec((M, 2), lambda j: (0, 0)),
        ],
        scratch_shapes=[pltpu.VMEM((M, 1), jnp.float32)],
        out_specs=[
            pl.BlockSpec((M, 1), lambda j: (0, 0)),
            pl.BlockSpec((M, 1), lambda j: (0, 0)),
            pl.BlockSpec((M, DP), lambda j: (0, 0)),
        ],
        out_shape=[
            jax.ShapeDtypeStruct((M, 1), jnp.float32),
            jax.ShapeDtypeStruct((M, 1), jnp.int32),
            jax.ShapeDtypeStruct((M, DP), jnp.float32),
        ],
        compiler_params=pltpu.CompilerParams(
            dimension_semantics=("arbitrary",)),
    )(table, table, table, s2rep, tscol)


def _sc_body(table, bestval, bestidx, noiset, out, bv_v, bi_v, idx_v,
             rows_v, nt_v, sem):
    c = lax.axis_index("c")
    s = lax.axis_index("s")
    wid = s * 2 + c
    rows = M // 32
    base = wid * rows
    pltpu.sync_copy(bestval.at[pl.ds(base, rows)], bv_v)
    pltpu.sync_copy(bestidx.at[pl.ds(base, rows)], bi_v)
    for ch in range(rows // 16):
        sl = pl.ds(ch * 16, 16)
        has_pick = bv_v[sl] > -jnp.inf
        rowid = lax.iota(jnp.int32, 16) + (base + ch * 16)
        idx_v[sl] = jnp.where(has_pick, bi_v[sl] + 2 * M, rowid)
    gather = pltpu.async_copy(table.at[idx_v], rows_v, sem)
    pltpu.sync_copy(noiset.at[pl.ds(base, rows)], nt_v)
    gather.wait()

    def row_body(r, carry):
        for vv in range(DP // 16):
            sl = pl.ds(vv * 16, 16)
            rows_v[r, sl] = rows_v[r, sl] + nt_v[r, sl]
        return carry

    lax.fori_loop(0, rows, row_body, 0)
    pltpu.sync_copy(rows_v, out.at[pl.ds(base, rows)])


def _sc_gather(table, bestval_flat, bestidx_flat, noise_t):
    rows = M // 32
    mesh = plsc.VectorSubcoreMesh(core_axis_name="c", subcore_axis_name="s")
    fn = functools.partial(
        pl.kernel,
        out_type=jax.ShapeDtypeStruct((M, DP), jnp.float32),
        mesh=mesh,
        scratch_types=[
            pltpu.VMEM((rows,), jnp.float32),
            pltpu.VMEM((rows,), jnp.int32),
            pltpu.VMEM((rows,), jnp.int32),
            pltpu.VMEM((rows, DP), jnp.float32),
            pltpu.VMEM((rows, DP), jnp.float32),
            pltpu.SemaphoreType.DMA,
        ],
    )(_sc_body)
    return fn(table, bestval_flat, bestidx_flat, noise_t)


def kernel(x_start, t, noise, sampled_values, distance_schedule, noise_schedule):
    b, s, d = x_start.shape
    r = sampled_values.shape[0]
    x_flat = x_start.reshape(b * s, d)
    s2 = jnp.sum(sampled_values ** 2, axis=1)
    thr = distance_schedule[t]
    thr2_row = jnp.repeat(thr ** 2, s)
    scale_row = jnp.repeat(noise_schedule[t], s)
    tscol = jnp.concatenate([thr2_row[:, None], scale_row[:, None]], axis=1)

    table = jnp.pad(
        jnp.concatenate([x_flat, noise.reshape(b * s, d), sampled_values],
                        axis=0),
        ((0, NP - r), (0, DP - d)))
    s2rep = jnp.pad(s2, (0, NP - r), constant_values=jnp.inf)[None, :]

    bestval, bestidx, noise_t = _stage1(table, s2rep, tscol)

    out_pad = _sc_gather(table, bestval.reshape(b * s),
                         bestidx.reshape(b * s), noise_t)
    return out_pad[:, :d].reshape(b, s, d)

# --- scband reference (transcript-rebuilt; emitter-appended) ---
"""Pipeline reference for scband-gaussian-diffusion-68109591380786 (READ-ONLY COPY).

The authoritative reference and input builder live on the scoring server;
editing this copy changes nothing except your own understanding.
"""

import jax, jax.numpy as jnp
import numpy as np

B, S, D = 64, 32, 68
R = 5000
T = 1000

def setup_inputs(seed: int = 0) -> dict:
    key = jax.random.key(seed)
    k1, k2, k3, k4 = jax.random.split(key, 4)
    x_start = jax.random.normal(k1, (B, S, D), dtype=jnp.float32)
    noise = jax.random.normal(k2, (B, S, D), dtype=jnp.float32)
    sampled_values = jax.random.normal(k3, (R, D), dtype=jnp.float32)
    t = jax.random.randint(k4, (B,), 0, T)
    distance_schedule = jnp.linspace(0.0, 16.0, T, dtype=jnp.float32)
    noise_schedule = jnp.linspace(0.0, 0.1, T, dtype=jnp.float32)
    return {"x_start": x_start, "t": t, "noise": noise,
            "sampled_values": sampled_values,
            "distance_schedule": distance_schedule,
            "noise_schedule": noise_schedule}

def reference(x_start, t, noise, sampled_values, distance_schedule, noise_schedule):
    b, s, d = x_start.shape
    r = sampled_values.shape[0]
    # noise_t = extract(noise_schedule, t, x.shape) * noise
    noise_t = noise_schedule[t][:, None, None] * noise
    x_flat = x_start.reshape(b * s, d)
    # pairwise L2 distances ||sampled_values[None,:,:] - x_flat[:,None,:]||
    # computed via the expanded form to avoid materializing (b*s, R, d)
    sq = (jnp.sum(x_flat ** 2, axis=1)[:, None]
          + jnp.sum(sampled_values ** 2, axis=1)[None, :]
          - 2.0 * (x_flat @ sampled_values.T))
    sq = jnp.maximum(sq, 0.0)
    dist_sq = sq.reshape(b, s, r)
    thr = distance_schedule[t][:, None, None]
    # distances < thr  <=>  distances^2 < thr^2 (both nonnegative)
    mask = dist_sq < thr ** 2
    flat_mask = mask.reshape(b * s, r)
    additional = jnp.logical_not(flat_mask.sum(-1).astype(bool))
    flat_mask = jnp.concatenate([flat_mask, additional[:, None]], axis=1)
    # torch.multinomial(flat_mask.float(), 1) == uniform sample over True entries
    # implemented with the Gumbel-max trick (fixed key for determinism)
    g = jax.random.gumbel(jax.random.key(42), flat_mask.shape, dtype=jnp.float32)
    logits = jnp.where(flat_mask, 0.0, -jnp.inf)
    sample_inds = jnp.argmax(logits + g, axis=1)
    # augmented = cat([sampled_values broadcast, x_flat[:,None,:]]); gather row sample_inds
    take_self = sample_inds >= r
    gathered = jnp.take(sampled_values, jnp.clip(sample_inds, 0, r - 1), axis=0)
    picked = jnp.where(take_self[:, None], x_flat, gathered)
    x_hat = picked.reshape(b, s, d)
    return x_hat + noise_t

if __name__ == "__main__":
    import jax
    _d = setup_inputs()
    print(jax.jit(kernel)(*tuple(_d.values())))

</pallas_src>

<mosaic_0001>
#map = affine_map<(d0, d1) -> (0, 0)>
#map1 = affine_map<(d0, d1) -> (0)>
module attributes {stable_mosaic.version = 14 : i64} {
  func.func @_sc_body(%arg0: i32, %arg1: i32, %arg2: memref<9216x128xf32, #tpu.memory_space<hbm>>, %arg3: memref<2048xf32, #tpu.memory_space<hbm>>, %arg4: memref<2048xi32, #tpu.memory_space<hbm>>, %arg5: memref<2048x128xf32, #tpu.memory_space<hbm>>, %arg6: memref<2048x128xf32, #tpu.memory_space<hbm>>, %arg7: memref<64xf32, #tpu.memory_space<vmem>>, %arg8: memref<64xi32, #tpu.memory_space<vmem>>, %arg9: memref<64xi32, #tpu.memory_space<vmem>>, %arg10: memref<64x128xf32, #tpu.memory_space<vmem>>, %arg11: memref<64x128xf32, #tpu.memory_space<vmem>>, %arg12: memref<!tpu.dma_semaphore, #tpu.memory_space<semaphore_mem>>) attributes {dimension_semantics = [#tpu.dimension_semantics<core_parallel>, #tpu.dimension_semantics<subcore_parallel>], iteration_bounds = array<i64: 2, 16>, scalar_prefetch = 0 : i64, scratch_operands = 6 : i64, tpu.core_type = #tpu.core_type<sc_vector_subcore>, window_params = [{transform_indices = #map}, {transform_indices = #map1}, {transform_indices = #map1}, {transform_indices = #map}, {transform_indices = #map}]} {
    %mul3A = arith.constant 2 : i32
    %mul3A_0 = arith.muli %arg1, %mul3A : i32
    %add3A = arith.addi %mul3A_0, %arg0 : i32
    %mul3A_1 = arith.constant 64 : i32
    %mul3A_2 = arith.muli %add3A, %mul3A_1 : i32
    "tpu.region"() ({
      %run_scoped3A = tpu.sem_alloc : memref<!tpu.dma_semaphore, #tpu.memory_space<semaphore_mem>>
      %dma_start3A_95 = tpu.memref_slice %arg3[%mul3A_2] : memref<2048xf32, #tpu.memory_space<hbm>> -> memref<64xf32, #tpu.memory_space<hbm>>
      %dma_start3A_96 = tpu.memref_slice %arg3[%mul3A_2] : memref<2048xf32, #tpu.memory_space<hbm>> -> memref<64xf32, #tpu.memory_space<hbm>>
      tpu.enqueue_dma source(%dma_start3A_96 : memref<64xf32, #tpu.memory_space<hbm>>) target(%arg7 : memref<64xf32, #tpu.memory_space<vmem>>) target_semaphore(%run_scoped3A : memref<!tpu.dma_semaphore, #tpu.memory_space<semaphore_mem>>)
      %dma_wait3A_97 = tpu.memref_slice %arg3[%mul3A_2] : memref<2048xf32, #tpu.memory_space<hbm>> -> memref<64xf32, #tpu.memory_space<hbm>>
      %dma_wait3A_98 = tpu.memref_slice %arg3[%mul3A_2] : memref<2048xf32, #tpu.memory_space<hbm>> -> memref<64xf32, #tpu.memory_space<hbm>>
      tpu.wait_dma2 semaphore(%run_scoped3A : memref<!tpu.dma_semaphore, #tpu.memory_space<semaphore_mem>>) src(%dma_wait3A_98 : memref<64xf32, #tpu.memory_space<hbm>>) dst(%arg7 : memref<64xf32, #tpu.memory_space<vmem>>)
      tpu.yield
    }) : () -> ()
    "tpu.region"() ({
      %run_scoped3A = tpu.sem_alloc : memref<!tpu.dma_semaphore, #tpu.memory_space<semaphore_mem>>
      %dma_start3A_95 = tpu.memref_slice %arg4[%mul3A_2] : memref<2048xi32, #tpu.memory_space<hbm>> -> memref<64xi32, #tpu.memory_space<hbm>>
      %dma_start3A_96 = tpu.memref_slice %arg4[%mul3A_2] : memref<2048xi32, #tpu.memory_space<hbm>> -> memref<64xi32, #tpu.memory_space<hbm>>
      tpu.enqueue_dma source(%dma_start3A_96 : memref<64xi32, #tpu.memory_space<hbm>>) target(%arg8 : memref<64xi32, #tpu.memory_space<vmem>>) target_semaphore(%run_scoped3A : memref<!tpu.dma_semaphore, #tpu.memory_space<semaphore_mem>>)
      %dma_wait3A_97 = tpu.memref_slice %arg4[%mul3A_2] : memref<2048xi32, #tpu.memory_space<hbm>> -> memref<64xi32, #tpu.memory_space<hbm>>
      %dma_wait3A_98 = tpu.memref_slice %arg4[%mul3A_2] : memref<2048xi32, #tpu.memory_space<hbm>> -> memref<64xi32, #tpu.memory_space<hbm>>
      tpu.wait_dma2 semaphore(%run_scoped3A : memref<!tpu.dma_semaphore, #tpu.memory_space<semaphore_mem>>) src(%dma_wait3A_98 : memref<64xi32, #tpu.memory_space<hbm>>) dst(%arg8 : memref<64xi32, #tpu.memory_space<vmem>>)
      tpu.yield
    }) : () -> ()
    %get3A = arith.constant 0 : index
    %get3A_3 = tpu.vector_load %arg7[%get3A] {strides = array<i32>} : memref<64xf32, #tpu.memory_space<vmem>>, vector<16xf32>,
    %get3A_4 = vector.shape_cast %get3A_3 : vector<16xf32> to vector<16xf32>
    %gt3A = arith.constant 0xFF800000 : f32
    %gt3A_5 = vector.broadcast %gt3A : f32 to vector<16xf32>
    %gt3A_6 = arith.cmpf ogt, %get3A_4, %gt3A_5 : vector<16xf32>
    %iota3A = tpu.iota {dimensions = array<i32: 0>} : vector<16xi32>
    %add3A_7 = arith.constant 0 : i32
    %add3A_8 = arith.addi %mul3A_2, %add3A_7 : i32
    %add3A_9 = vector.broadcast %add3A_8 : i32 to vector<16xi32>
    %add3A_10 = arith.addi %iota3A, %add3A_9 : vector<16xi32>
    %get3A_11 = arith.constant 0 : index
    %get3A_12 = tpu.vector_load %arg8[%get3A_11] {strides = array<i32>} : memref<64xi32, #tpu.memory_space<vmem>>, vector<16xi32>,
    %get3A_13 = vector.shape_cast %get3A_12 : vector<16xi32> to vector<16xi32>
    %add3A_14 = arith.constant 4096 : i32
    %add3A_15 = vector.broadcast %add3A_14 : i32 to vector<16xi32>
    %add3A_16 = arith.addi %get3A_13, %add3A_15 : vector<16xi32>
    %select_n3A = arith.select %gt3A_6, %add3A_16, %add3A_10 : vector<16xi1>, vector<16xi32>
    %swap3A = arith.constant 0 : index
    %swap3A_17 = tpu.vector_load %arg9[%swap3A] {strides = array<i32>} : memref<64xi32, #tpu.memory_space<vmem>>, vector<16xi32>,
    %swap3A_18 = vector.shape_cast %swap3A_17 : vector<16xi32> to vector<16xi32>
    %swap3A_19 = vector.shape_cast %select_n3A : vector<16xi32> to vector<16xi32>
    tpu.vector_store %arg9[%swap3A], %swap3A_19 {strides = array<i32>} : memref<64xi32, #tpu.memory_space<vmem>>, vector<16xi32>,
    %get3A_20 = arith.constant 16 : index
    %get3A_21 = tpu.vector_load %arg7[%get3A_20] {strides = array<i32>} : memref<64xf32, #tpu.memory_space<vmem>>, vector<16xf32>,
    %get3A_22 = vector.shape_cast %get3A_21 : vector<16xf32> to vector<16xf32>
    %gt3A_23 = arith.constant 0xFF800000 : f32
    %gt3A_24 = vector.broadcast %gt3A_23 : f32 to vector<16xf32>
    %gt3A_25 = arith.cmpf ogt, %get3A_22, %gt3A_24 : vector<16xf32>
    %iota3A_26 = tpu.iota {dimensions = array<i32: 0>} : vector<16xi32>
    %add3A_27 = arith.constant 16 : i32
    %add3A_28 = arith.addi %mul3A_2, %add3A_27 : i32
    %add3A_29 = vector.broadcast %add3A_28 : i32 to vector<16xi32>
    %add3A_30 = arith.addi %iota3A_26, %add3A_29 : vector<16xi32>
    %get3A_31 = arith.constant 16 : index
    %get3A_32 = tpu.vector_load %arg8[%get3A_31] {strides = array<i32>} : memref<64xi32, #tpu.memory_space<vmem>>, vector<16xi32>,
    %get3A_33 = vector.shape_cast %get3A_32 : vector<16xi32> to vector<16xi32>
    %add3A_34 = arith.constant 4096 : i32
    %add3A_35 = vector.broadcast %add3A_34 : i32 to vector<16xi32>
    %add3A_36 = arith.addi %get3A_33, %add3A_35 : vector<16xi32>
    %select_n3A_37 = arith.select %gt3A_25, %add3A_36, %add3A_30 : vector<16xi1>, vector<16xi32>
    %swap3A_38 = arith.constant 16 : index
    %swap3A_39 = tpu.vector_load %arg9[%swap3A_38] {strides = array<i32>} : memref<64xi32, #tpu.memory_space<vmem>>, vector<16xi32>,
    %swap3A_40 = vector.shape_cast %swap3A_39 : vector<16xi32> to vector<16xi32>
    %swap3A_41 = vector.shape_cast %select_n3A_37 : vector<16xi32> to vector<16xi32>
    tpu.vector_store %arg9[%swap3A_38], %swap3A_41 {strides = array<i32>} : memref<64xi32, #tpu.memory_space<vmem>>, vector<16xi32>,
    %get3A_42 = arith.constant 32 : index
    %get3A_43 = tpu.vector_load %arg7[%get3A_42] {strides = array<i32>} : memref<64xf32, #tpu.memory_space<vmem>>, vector<16xf32>,
    %get3A_44 = vector.shape_cast %get3A_43 : vector<16xf32> to vector<16xf32>
    %gt3A_45 = arith.constant 0xFF800000 : f32
    %gt3A_46 = vector.broadcast %gt3A_45 : f32 to vector<16xf32>
    %gt3A_47 = arith.cmpf ogt, %get3A_44, %gt3A_46 : vector<16xf32>
    %iota3A_48 = tpu.iota {dimensions = array<i32: 0>} : vector<16xi32>
    %add3A_49 = arith.constant 32 : i32
    %add3A_50 = arith.addi %mul3A_2, %add3A_49 : i32
    %add3A_51 = vector.broadcast %add3A_50 : i32 to vector<16xi32>
    %add3A_52 = arith.addi %iota3A_48, %add3A_51 : vector<16xi32>
    %get3A_53 = arith.constant 32 : index
    %get3A_54 = tpu.vector_load %arg8[%get3A_53] {strides = array<i32>} : memref<64xi32, #tpu.memory_space<vmem>>, vector<16xi32>,
    %get3A_55 = vector.shape_cast %get3A_54 : vector<16xi32> to vector<16xi32>
    %add3A_56 = arith.constant 4096 : i32
    %add3A_57 = vector.broadcast %add3A_56 : i32 to vector<16xi32>
    %add3A_58 = arith.addi %get3A_55, %add3A_57 : vector<16xi32>
    %select_n3A_59 = arith.select %gt3A_47, %add3A_58, %add3A_52 : vector<16xi1>, vector<16xi32>
    %swap3A_60 = arith.constant 32 : index
    %swap3A_61 = tpu.vector_load %arg9[%swap3A_60] {strides = array<i32>} : memref<64xi32, #tpu.memory_space<vmem>>, vector<16xi32>,
    %swap3A_62 = vector.shape_cast %swap3A_61 : vector<16xi32> to vector<16xi32>
    %swap3A_63 = vector.shape_cast %select_n3A_59 : vector<16xi32> to vector<16xi32>
    tpu.vector_store %arg9[%swap3A_60], %swap3A_63 {strides = array<i32>} : memref<64xi32, #tpu.memory_space<vmem>>, vector<16xi32>,
    %get3A_64 = arith.constant 48 : index
    %get3A_65 = tpu.vector_load %arg7[%get3A_64] {strides = array<i32>} : memref<64xf32, #tpu.memory_space<vmem>>, vector<16xf32>,
    %get3A_66 = vector.shape_cast %get3A_65 : vector<16xf32> to vector<16xf32>
    %gt3A_67 = arith.constant 0xFF800000 : f32
    %gt3A_68 = vector.broadcast %gt3A_67 : f32 to vector<16xf32>
    %gt3A_69 = arith.cmpf ogt, %get3A_66, %gt3A_68 : vector<16xf32>
    %iota3A_70 = tpu.iota {dimensions = array<i32: 0>} : vector<16xi32>
    %add3A_71 = arith.constant 48 : i32
    %add3A_72 = arith.addi %mul3A_2, %add3A_71 : i32
    %add3A_73 = vector.broadcast %add3A_72 : i32 to vector<16xi32>
    %add3A_74 = arith.addi %iota3A_70, %add3A_73 : vector<16xi32>
    %get3A_75 = arith.constant 48 : index
    %get3A_76 = tpu.vector_load %arg8[%get3A_75] {strides = array<i32>} : memref<64xi32, #tpu.memory_space<vmem>>, vector<16xi32>,
    %get3A_77 = vector.shape_cast %get3A_76 : vector<16xi32> to vector<16xi32>
    %add3A_78 = arith.constant 4096 : i32
    %add3A_79 = vector.broadcast %add3A_78 : i32 to vector<16xi32>
    %add3A_80 = arith.addi %get3A_77, %add3A_79 : vector<16xi32>
    %select_n3A_81 = arith.select %gt3A_69, %add3A_80, %add3A_74 : vector<16xi1>, vector<16xi32>
    %swap3A_82 = arith.constant 48 : index
    %swap3A_83 = tpu.vector_load %arg9[%swap3A_82] {strides = array<i32>} : memref<64xi32, #tpu.memory_space<vmem>>, vector<16xi32>,
    %swap3A_84 = vector.shape_cast %swap3A_83 : vector<16xi32> to vector<16xi32>
    %swap3A_85 = vector.shape_cast %select_n3A_81 : vector<16xi32> to vector<16xi32>
    tpu.vector_store %arg9[%swap3A_82], %swap3A_85 {strides = array<i32>} : memref<64xi32, #tpu.memory_space<vmem>>, vector<16xi32>,
    %dma_start3A = arith.constant 0 : i32
    %dma_start3A_86 = arith.constant 0 : i32
    %dma_start3A_87 = tpu.memref_slice %arg2[%dma_start3A, %dma_start3A_86] : memref<9216x128xf32, #tpu.memory_space<hbm>> -> memref<9216x128xf32, #tpu.memory_space<hbm>>
    tpu.enqueue_indirect_dma source(%dma_start3A_87 : memref<9216x128xf32, #tpu.memory_space<hbm>>) target(%arg10 : memref<64x128xf32, #tpu.memory_space<vmem>>) offsets(%arg9 : memref<64xi32, #tpu.memory_space<vmem>>) semaphore(%arg12 : memref<!tpu.dma_semaphore, #tpu.memory_space<semaphore_mem>>)
    "tpu.region"() ({
      %run_scoped3A = tpu.sem_alloc : memref<!tpu.dma_semaphore, #tpu.memory_space<semaphore_mem>>
      %dma_start3A_95 = arith.constant 0 : i32
      %dma_start3A_96 = tpu.memref_slice %arg5[%mul3A_2, %dma_start3A_95] : memref<2048x128xf32, #tpu.memory_space<hbm>> -> memref<64x128xf32, #tpu.memory_space<hbm>>
      %dma_start3A_97 = arith.constant 0 : i32
      %dma_start3A_98 = tpu.memref_slice %arg5[%mul3A_2, %dma_start3A_97] : memref<2048x128xf32, #tpu.memory_space<hbm>> -> memref<64x128xf32, #tpu.memory_space<hbm>>
      tpu.enqueue_dma source(%dma_start3A_98 : memref<64x128xf32, #tpu.memory_space<hbm>>) target(%arg11 : memref<64x128xf32, #tpu.memory_space<vmem>>) target_semaphore(%run_scoped3A : memref<!tpu.dma_semaphore, #tpu.memory_space<semaphore_mem>>)
      %dma_wait3A_99 = arith.constant 0 : i32
      %dma_wait3A_100 = tpu.memref_slice %arg5[%mul3A_2, %dma_wait3A_99] : memref<2048x128xf32, #tpu.memory_space<hbm>> -> memref<64x128xf32, #tpu.memory_space<hbm>>
      %dma_wait3A_101 = arith.constant 0 : i32
      %dma_wait3A_102 = tpu.memref_slice %arg5[%mul3A_2, %dma_wait3A_101] : memref<2048x128xf32, #tpu.memory_space<hbm>> -> memref<64x128xf32, #tpu.memory_space<hbm>>
      tpu.wait_dma2 semaphore(%run_scoped3A : memref<!tpu.dma_semaphore, #tpu.memory_space<semaphore_mem>>) src(%dma_wait3A_102 : memref<64x128xf32, #tpu.memory_space<hbm>>) dst(%arg11 : memref<64x128xf32, #tpu.memory_space<vmem>>)
      tpu.yield
    }) : () -> ()
    %dma_wait3A = arith.constant 0 : i32
    %dma_wait3A_88 = arith.constant 0 : i32
    %dma_wait3A_89 = tpu.memref_slice %arg2[%dma_wait3A, %dma_wait3A_88] : memref<9216x128xf32, #tpu.memory_space<hbm>> -> memref<9216x128xf32, #tpu.memory_space<hbm>>
    tpu.wait_indirect_dma semaphore(%arg12 : memref<!tpu.dma_semaphore, #tpu.memory_space<semaphore_mem>>) src(%dma_wait3A_89 : memref<9216x128xf32, #tpu.memory_space<hbm>>) dst(%arg10 : memref<64x128xf32, #tpu.memory_space<vmem>>)
    %scan3A = arith.constant 0 : i32
    %scan3A_90 = arith.constant 0 : i32
    %scan3A_91 = arith.constant 64 : i32
    %scan3A_92 = arith.addi %scan3A_90, %scan3A_91 : i32
    %scan3A_93 = arith.constant 1 : i32
    scf.for %scan3A_95 = %scan3A_90 to %scan3A_92 step %scan3A_93  : i32 {
      %get3A_96 = arith.index_cast %scan3A_95 : i32 to index
      %get3A_97 = arith.constant 0 : index
      %get3A_98 = tpu.vector_load %arg10[%get3A_96, %get3A_97] {strides = array<i32>} : memref<64x128xf32, #tpu.memory_space<vmem>>, vector<1x16xf32>,
      %get3A_99 = vector.shape_cast %get3A_98 : vector<1x16xf32> to vector<16xf32>
      %get3A_100 = arith.index_cast %scan3A_95 : i32 to index
      %get3A_101 = arith.constant 0 : index
      %get3A_102 = tpu.vector_load %arg11[%get3A_100, %get3A_101] {strides = array<i32>} : memref<64x128xf32, #tpu.memory_space<vmem>>, vector<1x16xf32>,
      %get3A_103 = vector.shape_cast %get3A_102 : vector<1x16xf32> to vector<16xf32>
      %add3A_104 = arith.addf %get3A_99, %get3A_103 : vector<16xf32>
      %swap3A_105 = arith.index_cast %scan3A_95 : i32 to index
      %swap3A_106 = arith.constant 0 : index
      %swap3A_107 = tpu.vector_load %arg10[%swap3A_105, %swap3A_106] {strides = array<i32>} : memref<64x128xf32, #tpu.memory_space<vmem>>, vector<1x16xf32>,
      %swap3A_108 = vector.shape_cast %swap3A_107 : vector<1x16xf32> to vector<16xf32>
      %swap3A_109 = vector.shape_cast %add3A_104 : vector<16xf32> to vector<1x16xf32>
      tpu.vector_store %arg10[%swap3A_105, %swap3A_106], %swap3A_109 {strides = array<i32>} : memref<64x128xf32, #tpu.memory_space<vmem>>, vector<1x16xf32>,
      %get3A_110 = arith.index_cast %scan3A_95 : i32 to index
      %get3A_111 = arith.constant 16 : index
      %get3A_112 = tpu.vector_load %arg10[%get3A_110, %get3A_111] {strides = array<i32>} : memref<64x128xf32, #tpu.memory_space<vmem>>, vector<1x16xf32>,
      %get3A_113 = vector.shape_cast %get3A_112 : vector<1x16xf32> to vector<16xf32>
      %get3A_114 = arith.index_cast %scan3A_95 : i32 to index
      %get3A_115 = arith.constant 16 : index
      %get3A_116 = tpu.vector_load %arg11[%get3A_114, %get3A_115] {strides = array<i32>} : memref<64x128xf32, #tpu.memory_space<vmem>>, vector<1x16xf32>,
      %get3A_117 = vector.shape_cast %get3A_116 : vector<1x16xf32> to vector<16xf32>
      %add3A_118 = arith.addf %get3A_113, %get3A_117 : vector<16xf32>
      %swap3A_119 = arith.index_cast %scan3A_95 : i32 to index
      %swap3A_120 = arith.constant 16 : index
      %swap3A_121 = tpu.vector_load %arg10[%swap3A_119, %swap3A_120] {strides = array<i32>} : memref<64x128xf32, #tpu.memory_space<vmem>>, vector<1x16xf32>,
      %swap3A_122 = vector.shape_cast %swap3A_121 : vector<1x16xf32> to vector<16xf32>
      %swap3A_123 = vector.shape_cast %add3A_118 : vector<16xf32> to vector<1x16xf32>
      tpu.vector_store %arg10[%swap3A_119, %swap3A_120], %swap3A_123 {strides = array<i32>} : memref<64x128xf32, #tpu.memory_space<vmem>>, vector<1x16xf32>,
      %get3A_124 = arith.index_cast %scan3A_95 : i32 to index
      %get3A_125 = arith.constant 32 : index
      %get3A_126 = tpu.vector_load %arg10[%get3A_124, %get3A_125] {strides = array<i32>} : memref<64x128xf32, #tpu.memory_space<vmem>>, vector<1x16xf32>,
      %get3A_127 = vector.shape_cast %get3A_126 : vector<1x16xf32> to vector<16xf32>
      %get3A_128 = arith.index_cast %scan3A_95 : i32 to index
      %get3A_129 = arith.constant 32 : index
      %get3A_130 = tpu.vector_load %arg11[%get3A_128, %get3A_129] {strides = array<i32>} : memref<64x128xf32, #tpu.memory_space<vmem>>, vector<1x16xf32>,
      %get3A_131 = vector.shape_cast %get3A_130 : vector<1x16xf32> to vector<16xf32>
      %add3A_132 = arith.addf %get3A_127, %get3A_131 : vector<16xf32>
      %swap3A_133 = arith.index_cast %scan3A_95 : i32 to index
      %swap3A_134 = arith.constant 32 : index
      %swap3A_135 = tpu.vector_load %arg10[%swap3A_133, %swap3A_134] {strides = array<i32>} : memref<64x128xf32, #tpu.memory_space<vmem>>, vector<1x16xf32>,
      %swap3A_136 = vector.shape_cast %swap3A_135 : vector<1x16xf32> to vector<16xf32>
      %swap3A_137 = vector.shape_cast %add3A_132 : vector<16xf32> to vector<1x16xf32>
      tpu.vector_store %arg10[%swap3A_133, %swap3A_134], %swap3A_137 {strides = array<i32>} : memref<64x128xf32, #tpu.memory_space<vmem>>, vector<1x16xf32>,
      %get3A_138 = arith.index_cast %scan3A_95 : i32 to index
      %get3A_139 = arith.constant 48 : index
      %get3A_140 = tpu.vector_load %arg10[%get3A_138, %get3A_139] {strides = array<i32>} : memref<64x128xf32, #tpu.memory_space<vmem>>, vector<1x16xf32>,
      %get3A_141 = vector.shape_cast %get3A_140 : vector<1x16xf32> to vector<16xf32>
      %get3A_142 = arith.index_cast %scan3A_95 : i32 to index
      %get3A_143 = arith.constant 48 : index
      %get3A_144 = tpu.vector_load %arg11[%get3A_142, %get3A_143] {strides = array<i32>} : memref<64x128xf32, #tpu.memory_space<vmem>>, vector<1x16xf32>,
      %get3A_145 = vector.shape_cast %get3A_144 : vector<1x16xf32> to vector<16xf32>
      %add3A_146 = arith.addf %get3A_141, %get3A_145 : vector<16xf32>
      %swap3A_147 = arith.index_cast %scan3A_95 : i32 to index
      %swap3A_148 = arith.constant 48 : index
      %swap3A_149 = tpu.vector_load %arg10[%swap3A_147, %swap3A_148] {strides = array<i32>} : memref<64x128xf32, #tpu.memory_space<vmem>>, vector<1x16xf32>,
      %swap3A_150 = vector.shape_cast %swap3A_149 : vector<1x16xf32> to vector<16xf32>
      %swap3A_151 = vector.shape_cast %add3A_146 : vector<16xf32> to vector<1x16xf32>
      tpu.vector_store %arg10[%swap3A_147, %swap3A_148], %swap3A_151 {strides = array<i32>} : memref<64x128xf32, #tpu.memory_space<vmem>>, vector<1x16xf32>,
      %get3A_152 = arith.index_cast %scan3A_95 : i32 to index
      %get3A_153 = arith.constant 64 : index
      %get3A_154 = tpu.vector_load %arg10[%get3A_152, %get3A_153] {strides = array<i32>} : memref<64x128xf32, #tpu.memory_space<vmem>>, vector<1x16xf32>,
      %get3A_155 = vector.shape_cast %get3A_154 : vector<1x16xf32> to vector<16xf32>
      %get3A_156 = arith.index_cast %scan3A_95 : i32 to index
      %get3A_157 = arith.constant 64 : index
      %get3A_158 = tpu.vector_load %arg11[%get3A_156, %get3A_157] {strides = array<i32>} : memref<64x128xf32, #tpu.memory_space<vmem>>, vector<1x16xf32>,
      %get3A_159 = vector.shape_cast %get3A_158 : vector<1x16xf32> to vector<16xf32>
      %add3A_160 = arith.addf %get3A_155, %get3A_159 : vector<16xf32>
      %swap3A_161 = arith.index_cast %scan3A_95 : i32 to index
      %swap3A_162 = arith.constant 64 : index
      %swap3A_163 = tpu.vector_load %arg10[%swap3A_161, %swap3A_162] {strides = array<i32>} : memref<64x128xf32, #tpu.memory_space<vmem>>, vector<1x16xf32>,
      %swap3A_164 = vector.shape_cast %swap3A_163 : vector<1x16xf32> to vector<16xf32>
      %swap3A_165 = vector.shape_cast %add3A_160 : vector<16xf32> to vector<1x16xf32>
      tpu.vector_store %arg10[%swap3A_161, %swap3A_162], %swap3A_165 {strides = array<i32>} : memref<64x128xf32, #tpu.memory_space<vmem>>, vector<1x16xf32>,
      %get3A_166 = arith.index_cast %scan3A_95 : i32 to index
      %get3A_167 = arith.constant 80 : index
      %get3A_168 = tpu.vector_load %arg10[%get3A_166, %get3A_167] {strides = array<i32>} : memref<64x128xf32, #tpu.memory_space<vmem>>, vector<1x16xf32>,
      %get3A_169 = vector.shape_cast %get3A_168 : vector<1x16xf32> to vector<16xf32>
      %get3A_170 = arith.index_cast %scan3A_95 : i32 to index
      %get3A_171 = arith.constant 80 : index
      %get3A_172 = tpu.vector_load %arg11[%get3A_170, %get3A_171] {strides = array<i32>} : memref<64x128xf32, #tpu.memory_space<vmem>>, vector<1x16xf32>,
      %get3A_173 = vector.shape_cast %get3A_172 : vector<1x16xf32> to vector<16xf32>
      %add3A_174 = arith.addf %get3A_169, %get3A_173 : vector<16xf32>
      %swap3A_175 = arith.index_cast %scan3A_95 : i32 to index
      %swap3A_176 = arith.constant 80 : index
      %swap3A_177 = tpu.vector_load %arg10[%swap3A_175, %swap3A_176] {strides = array<i32>} : memref<64x128xf32, #tpu.memory_space<vmem>>, vector<1x16xf32>,
      %swap3A_178 = vector.shape_cast %swap3A_177 : vector<1x16xf32> to vector<16xf32>
      %swap3A_179 = vector.shape_cast %add3A_174 : vector<16xf32> to vector<1x16xf32>
      tpu.vector_store %arg10[%swap3A_175, %swap3A_176], %swap3A_179 {strides = array<i32>} : memref<64x128xf32, #tpu.memory_space<vmem>>, vector<1x16xf32>,
      %get3A_180 = arith.index_cast %scan3A_95 : i32 to index
      %get3A_181 = arith.constant 96 : index
      %get3A_182 = tpu.vector_load %arg10[%get3A_180, %get3A_181] {strides = array<i32>} : memref<64x128xf32, #tpu.memory_space<vmem>>, vector<1x16xf32>,
      %get3A_183 = vector.shape_cast %get3A_182 : vector<1x16xf32> to vector<16xf32>
      %get3A_184 = arith.index_cast %scan3A_95 : i32 to index
      %get3A_185 = arith.constant 96 : index
      %get3A_186 = tpu.vector_load %arg11[%get3A_184, %get3A_185] {strides = array<i32>} : memref<64x128xf32, #tpu.memory_space<vmem>>, vector<1x16xf32>,
      %get3A_187 = vector.shape_cast %get3A_186 : vector<1x16xf32> to vector<16xf32>
      %add3A_188 = arith.addf %get3A_183, %get3A_187 : vector<16xf32>
      %swap3A_189 = arith.index_cast %scan3A_95 : i32 to index
      %swap3A_190 = arith.constant 96 : index
      %swap3A_191 = tpu.vector_load %arg10[%swap3A_189, %swap3A_190] {strides = array<i32>} : memref<64x128xf32, #tpu.memory_space<vmem>>, vector<1x16xf32>,
      %swap3A_192 = vector.shape_cast %swap3A_191 : vector<1x16xf32> to vector<16xf32>
      %swap3A_193 = vector.shape_cast %add3A_188 : vector<16xf32> to vector<1x16xf32>
      tpu.vector_store %arg10[%swap3A_189, %swap3A_190], %swap3A_193 {strides = array<i32>} : memref<64x128xf32, #tpu.memory_space<vmem>>, vector<1x16xf32>,
      %get3A_194 = arith.index_cast %scan3A_95 : i32 to index
      %get3A_195 = arith.constant 112 : index
      %get3A_196 = tpu.vector_load %arg10[%get3A_194, %get3A_195] {strides = array<i32>} : memref<64x128xf32, #tpu.memory_space<vmem>>, vector<1x16xf32>,
      %get3A_197 = vector.shape_cast %get3A_196 : vector<1x16xf32> to vector<16xf32>
      %get3A_198 = arith.index_cast %scan3A_95 : i32 to index
      %get3A_199 = arith.constant 112 : index
      %get3A_200 = tpu.vector_load %arg11[%get3A_198, %get3A_199] {strides = array<i32>} : memref<64x128xf32, #tpu.memory_space<vmem>>, vector<1x16xf32>,
      %get3A_201 = vector.shape_cast %get3A_200 : vector<1x16xf32> to vector<16xf32>
      %add3A_202 = arith.addf %get3A_197, %get3A_201 : vector<16xf32>
      %swap3A_203 = arith.index_cast %scan3A_95 : i32 to index
      %swap3A_204 = arith.constant 112 : index
      %swap3A_205 = tpu.vector_load %arg10[%swap3A_203, %swap3A_204] {strides = array<i32>} : memref<64x128xf32, #tpu.memory_space<vmem>>, vector<1x16xf32>,
      %swap3A_206 = vector.shape_cast %swap3A_205 : vector<1x16xf32> to vector<16xf32>
      %swap3A_207 = vector.shape_cast %add3A_202 : vector<16xf32> to vector<1x16xf32>
      tpu.vector_store %arg10[%swap3A_203, %swap3A_204], %swap3A_207 {strides = array<i32>} : memref<64x128xf32, #tpu.memory_space<vmem>>, vector<1x16xf32>,
    }
    %scan3A_94 = arith.constant 64 : i32
    "tpu.region"() ({
      %run_scoped3A = tpu.sem_alloc : memref<!tpu.dma_semaphore, #tpu.memory_space<semaphore_mem>>
      %dma_start3A_95 = arith.constant 0 : i32
      %dma_start3A_96 = tpu.memref_slice %arg6[%mul3A_2, %dma_start3A_95] : memref<2048x128xf32, #tpu.memory_space<hbm>> -> memref<64x128xf32, #tpu.memory_space<hbm>>
      %dma_start3A_97 = arith.constant 0 : i32
      %dma_start3A_98 = tpu.memref_slice %arg6[%mul3A_2, %dma_start3A_97] : memref<2048x128xf32, #tpu.memory_space<hbm>> -> memref<64x128xf32, #tpu.memory_space<hbm>>
      tpu.enqueue_dma source(%arg10 : memref<64x128xf32, #tpu.memory_space<vmem>>) target(%dma_start3A_98 : memref<64x128xf32, #tpu.memory_space<hbm>>) target_semaphore(%run_scoped3A : memref<!tpu.dma_semaphore, #tpu.memory_space<semaphore_mem>>)
      %dma_wait3A_99 = arith.constant 0 : i32
      %dma_wait3A_100 = tpu.memref_slice %arg6[%mul3A_2, %dma_wait3A_99] : memref<2048x128xf32, #tpu.memory_space<hbm>> -> memref<64x128xf32, #tpu.memory_space<hbm>>
      %dma_wait3A_101 = arith.constant 0 : i32
      %dma_wait3A_102 = tpu.memref_slice %arg6[%mul3A_2, %dma_wait3A_101] : memref<2048x128xf32, #tpu.memory_space<hbm>> -> memref<64x128xf32, #tpu.memory_space<hbm>>
      tpu.wait_dma2 semaphore(%run_scoped3A : memref<!tpu.dma_semaphore, #tpu.memory_space<semaphore_mem>>) src(%arg10 : memref<64x128xf32, #tpu.memory_space<vmem>>) dst(%dma_wait3A_102 : memref<64x128xf32, #tpu.memory_space<hbm>>)
      tpu.yield
    }) : () -> ()
    return
  }
}

module attributes {stable_mosaic.version = 14 : i64} {
  func.func @_stage1_body(%arg0: i32, %arg1: memref<2048x128xf32, #tpu.memory_space<vmem>>, %arg2: memref<2048x128xf32, #tpu.memory_space<vmem>>, %arg3: memref<512x128xf32, #tpu.memory_space<vmem>>, %arg4: memref<1x512xf32, #tpu.memory_space<vmem>>, %arg5: memref<2048x2xf32, #tpu.memory_space<vmem>>, %arg6: memref<2048x1xf32, #tpu.memory_space<vmem>>, %arg7: memref<2048x1xi32, #tpu.memory_space<vmem>>, %arg8: memref<2048x128xf32, #tpu.memory_space<vmem>>, %arg9: memref<2048x1xf32, #tpu.memory_space<vmem>>) attributes {dimension_semantics = [#tpu.dimension_semantics<arbitrary>], iteration_bounds = array<i64: 10>, scalar_prefetch = 0 : i64, scratch_operands = 1 : i64, tpu.core_type = #tpu.core_type<tc>, window_params = [{transform_indices = @transform_0, window_bounds = array<i64: 2048, 128>}, {transform_indices = @transform_1, window_bounds = array<i64: 2048, 128>}, {transform_indices = @transform_2, window_bounds = array<i64: 512, 128>}, {transform_indices = @transform_3, window_bounds = array<i64: 1, 512>}, {pipeline_mode = #tpu.pipeline_mode<synchronous>, transform_indices = @transform_4, window_bounds = array<i64: 2048, 2>}, {pipeline_mode = #tpu.pipeline_mode<synchronous>, transform_indices = @transform_5, window_bounds = array<i64: 2048, 1>}, {pipeline_mode = #tpu.pipeline_mode<synchronous>, transform_indices = @transform_6, window_bounds = array<i64: 2048, 1>}, {pipeline_mode = #tpu.pipeline_mode<synchronous>, transform_indices = @transform_7, window_bounds = array<i64: 2048, 128>}]} {
    %eq3A = arith.constant 0 : i32
    %eq3A_0 = arith.cmpi eq, %arg0, %eq3A : i32
    %convert_element_type3A = arith.extui %eq3A_0 : i1 to i32
    %cond3A = arith.constant 0 : i32
    %cond3A_1 = arith.cmpi ne, %convert_element_type3A, %cond3A : i32
    scf.if %cond3A_1 {
      %get3A_305 = arith.constant 0 : index
      %get3A_306 = arith.constant 0 : index
      %get3A_307 = vector.load %arg1[%get3A_305, %get3A_306] : memref<2048x128xf32, #tpu.memory_space<vmem>>, vector<2048x128xf32>
      %integer_pow3A = arith.mulf %get3A_307, %get3A_307 : vector<2048x128xf32>
      %reduce_sum3A = arith.constant dense<0.000000e+00> : vector<2048xf32>
      %reduce_sum3A_308 = vector.multi_reduction <add>, %integer_pow3A, %reduce_sum3A [1] : vector<2048x128xf32> to vector<2048xf32>
      %broadcast_in_dim3A_309 = vector.shape_cast %reduce_sum3A_308 : vector<2048xf32> to vector<2048x1xf32>
      %swap3A = arith.constant 0 : index
      %swap3A_310 = arith.constant 0 : index
      %swap3A_311 = vector.load %arg9[%swap3A, %swap3A_310] : memref<2048x1xf32, #tpu.memory_space<vmem>>, vector<2048x1xf32>
      tpu.vector_store %arg9[%swap3A, %swap3A_310], %broadcast_in_dim3A_309 {strides = array<i32>} : memref<2048x1xf32, #tpu.memory_space<vmem>>, vector<2048x1xf32>,
    } else {
    }
    %get3A = arith.constant 0 : index
    %get3A_2 = arith.constant 0 : index
    %get3A_3 = vector.load %arg1[%get3A, %get3A_2] : memref<2048x128xf32, #tpu.memory_space<vmem>>, vector<2048x128xf32>
    %get3A_4 = arith.constant 0 : index
    %get3A_5 = arith.constant 0 : index
    %get3A_6 = vector.load %arg3[%get3A_4, %get3A_5] : memref<512x128xf32, #tpu.memory_space<vmem>>, vector<512x128xf32>
    %dot_general3A = arith.constant dense<0.000000e+00> : vector<2048x512xf32>
    %dot_general3A_7 = tpu.matmul %get3A_3, %get3A_6, %dot_general3A {dimension_numbers = #tpu.dot_dimension_numbers<[1], [1], [0], [0], [0, 0, 1, 0], [], []>, transpose_lhs_hint = false} : vector<2048x128xf32>, vector<512x128xf32>, vector<2048x512xf32> -> vector<2048x512xf32>
    %get3A_8 = arith.constant 0 : index
    %get3A_9 = arith.constant 0 : index
    %get3A_10 = vector.load %arg9[%get3A_8, %get3A_9] : memref<2048x1xf32, #tpu.memory_space<vmem>>, vector<2048x1xf32>
    %get3A_11 = arith.constant 0 : index
    %get3A_12 = arith.constant 0 : index
    %get3A_13 = vector.load %arg4[%get3A_11, %get3A_12] : memref<1x512xf32, #tpu.memory_space<vmem>>, vector<1x512xf32>
    %add3A = vector.broadcast %get3A_10 : vector<2048x1xf32> to vector<2048x512xf32>
    %add3A_14 = vector.broadcast %get3A_13 : vector<1x512xf32> to vector<2048x512xf32>
    %add3A_15 = arith.addf %add3A, %add3A_14 : vector<2048x512xf32>
    %mul3A = arith.constant 2.000000e+00 : f32
    %mul3A_16 = vector.broadcast %mul3A : f32 to vector<2048x512xf32>
    %mul3A_17 = arith.mulf %mul3A_16, %dot_general3A_7 : vector<2048x512xf32>
    %sub3A = arith.subf %add3A_15, %mul3A_17 : vector<2048x512xf32>
    %max3A = arith.constant 0.000000e+00 : f32
    %max3A_18 = vector.broadcast %max3A : f32 to vector<2048x512xf32>
    %max3A_19 = arith.maximumf %sub3A, %max3A_18 : vector<2048x512xf32>
    %get3A_20 = arith.constant 0 : index
    %get3A_21 = arith.constant 0 : index
    %get3A_22 = vector.load %arg5[%get3A_20, %get3A_21] : memref<2048x2xf32, #tpu.memory_space<vmem>>, vector<2048x1xf32>
    %lt3A = vector.broadcast %get3A_22 : vector<2048x1xf32> to vector<2048x512xf32>
    %lt3A_23 = arith.cmpf olt, %max3A_19, %lt3A : vector<2048x512xf32>
    %iota3A = tpu.iota {dimensions = array<i32: 0>} : vector<2048x512xi32>
    %iota3A_24 = tpu.iota {dimensions = array<i32: 1>} : vector<2048x512xi32>
    %mul3A_25 = arith.constant 512 : i32
    %mul3A_26 = arith.muli %arg0, %mul3A_25 : i32
    %add3A_27 = vector.broadcast %mul3A_26 : i32 to vector<2048x512xi32>
    %add3A_28 = arith.addi %iota3A_24, %add3A_27 : vector<2048x512xi32>
    %mul3A_29 = arith.constant 5001 : i32
    %mul3A_30 = vector.broadcast %mul3A_29 : i32 to vector<2048x512xi32>
    %mul3A_31 = arith.muli %iota3A, %mul3A_30 : vector<2048x512xi32>
    %add3A_32 = arith.addi %mul3A_31, %add3A_28 : vector<2048x512xi32>
    %broadcast_in_dim3A = arith.constant 0 : i32
    %broadcast_in_dim3A_33 = vector.broadcast %broadcast_in_dim3A : i32 to vector<2048x512xi32>
    %add3A_34 = arith.constant 0 : i32
    %add3A_35 = vector.broadcast %add3A_34 : i32 to vector<2048x512xi32>
    %add3A_36 = arith.addi %broadcast_in_dim3A_33, %add3A_35 : vector<2048x512xi32>
    %add3A_37 = arith.constant 42 : i32
    %add3A_38 = vector.broadcast %add3A_37 : i32 to vector<2048x512xi32>
    %add3A_39 = arith.addi %add3A_32, %add3A_38 : vector<2048x512xi32>
    %add3A_40 = arith.addi %add3A_36, %add3A_39 : vector<2048x512xi32>
    %shift_left3A = arith.constant 13 : i32
    %shift_left3A_41 = vector.broadcast %shift_left3A : i32 to vector<2048x512xi32>
    %shift_left3A_42 = arith.shli %add3A_39, %shift_left3A_41 : vector<2048x512xi32>
    %shift_right_logical3A = arith.constant 19 : i32
    %shift_right_logical3A_43 = vector.broadcast %shift_right_logical3A : i32 to vector<2048x512xi32>
    %shift_right_logical3A_44 = arith.shrui %add3A_39, %shift_right_logical3A_43 : vector<2048x512xi32>
    %or3A = arith.ori %shift_left3A_42, %shift_right_logical3A_44 : vector<2048x512xi32>
    %xor3A = arith.xori %add3A_40, %or3A : vector<2048x512xi32>
    %add3A_45 = arith.addi %add3A_40, %xor3A : vector<2048x512xi32>
    %shift_left3A_46 = arith.constant 15 : i32
    %shift_left3A_47 = vector.broadcast %shift_left3A_46 : i32 to vector<2048x512xi32>
    %shift_left3A_48 = arith.shli %xor3A, %shift_left3A_47 : vector<2048x512xi32>
    %shift_right_logical3A_49 = arith.constant 17 : i32
    %shift_right_logical3A_50 = vector.broadcast %shift_right_logical3A_49 : i32 to vector<2048x512xi32>
    %shift_right_logical3A_51 = arith.shrui %xor3A, %shift_right_logical3A_50 : vector<2048x512xi32>
    %or3A_52 = arith.ori %shift_left3A_48, %shift_right_logical3A_51 : vector<2048x512xi32>
    %xor3A_53 = arith.xori %add3A_45, %or3A_52 : vector<2048x512xi32>
    %add3A_54 = arith.addi %add3A_45, %xor3A_53 : vector<2048x512xi32>
    %shift_left3A_55 = arith.constant 26 : i32
    %shift_left3A_56 = vector.broadcast %shift_left3A_55 : i32 to vector<2048x512xi32>
    %shift_left3A_57 = arith.shli %xor3A_53, %shift_left3A_56 : vector<2048x512xi32>
    %shift_right_logical3A_58 = arith.constant 6 : i32
    %shift_right_logical3A_59 = vector.broadcast %shift_right_logical3A_58 : i32 to vector<2048x512xi32>
    %shift_right_logical3A_60 = arith.shrui %xor3A_53, %shift_right_logical3A_59 : vector<2048x512xi32>
    %or3A_61 = arith.ori %shift_left3A_57, %shift_right_logical3A_60 : vector<2048x512xi32>
    %xor3A_62 = arith.xori %add3A_54, %or3A_61 : vector<2048x512xi32>
    %add3A_63 = arith.addi %add3A_54, %xor3A_62 : vector<2048x512xi32>
    %shift_left3A_64 = arith.constant 6 : i32
    %shift_left3A_65 = vector.broadcast %shift_left3A_64 : i32 to vector<2048x512xi32>
    %shift_left3A_66 = arith.shli %xor3A_62, %shift_left3A_65 : vector<2048x512xi32>
    %shift_right_logical3A_67 = arith.constant 26 : i32
    %shift_right_logical3A_68 = vector.broadcast %shift_right_logical3A_67 : i32 to vector<2048x512xi32>
    %shift_right_logical3A_69 = arith.shrui %xor3A_62, %shift_right_logical3A_68 : vector<2048x512xi32>
    %or3A_70 = arith.ori %shift_left3A_66, %shift_right_logical3A_69 : vector<2048x512xi32>
    %xor3A_71 = arith.xori %add3A_63, %or3A_70 : vector<2048x512xi32>
    %add3A_72 = arith.constant 42 : i32
    %add3A_73 = vector.broadcast %add3A_72 : i32 to vector<2048x512xi32>
    %add3A_74 = arith.addi %add3A_63, %add3A_73 : vector<2048x512xi32>
    %add3A_75 = arith.constant 466689008 : i32
    %add3A_76 = vector.broadcast %add3A_75 : i32 to vector<2048x512xi32>
    %add3A_77 = arith.addi %xor3A_71, %add3A_76 : vector<2048x512xi32>
    %add3A_78 = arith.constant 1 : i32
    %add3A_79 = vector.broadcast %add3A_78 : i32 to vector<2048x512xi32>
    %add3A_80 = arith.addi %add3A_77, %add3A_79 : vector<2048x512xi32>
    %add3A_81 = arith.addi %add3A_74, %add3A_80 : vector<2048x512xi32>
    %shift_left3A_82 = arith.constant 17 : i32
    %shift_left3A_83 = vector.broadcast %shift_left3A_82 : i32 to vector<2048x512xi32>
    %shift_left3A_84 = arith.shli %add3A_80, %shift_left3A_83 : vector<2048x512xi32>
    %shift_right_logical3A_85 = arith.constant 15 : i32
    %shift_right_logical3A_86 = vector.broadcast %shift_right_logical3A_85 : i32 to vector<2048x512xi32>
    %shift_right_logical3A_87 = arith.shrui %add3A_80, %shift_right_logical3A_86 : vector<2048x512xi32>
    %or3A_88 = arith.ori %shift_left3A_84, %shift_right_logical3A_87 : vector<2048x512xi32>
    %xor3A_89 = arith.xori %add3A_81, %or3A_88 : vector<2048x512xi32>
    %add3A_90 = arith.addi %add3A_81, %xor3A_89 : vector<2048x512xi32>
    %shift_left3A_91 = arith.constant 29 : i32
    %shift_left3A_92 = vector.broadcast %shift_left3A_91 : i32 to vector<2048x512xi32>
    %shift_left3A_93 = arith.shli %xor3A_89, %shift_left3A_92 : vector<2048x512xi32>
    %shift_right_logical3A_94 = arith.constant 3 : i32
    %shift_right_logical3A_95 = vector.broadcast %shift_right_logical3A_94 : i32 to vector<2048x512xi32>
    %shift_right_logical3A_96 = arith.shrui %xor3A_89, %shift_right_logical3A_95 : vector<2048x512xi32>
    %or3A_97 = arith.ori %shift_left3A_93, %shift_right_logical3A_96 : vector<2048x512xi32>
    %xor3A_98 = arith.xori %add3A_90, %or3A_97 : vector<2048x512xi32>
    %add3A_99 = arith.addi %add3A_90, %xor3A_98 : vector<2048x512xi32>
    %shift_left3A_100 = arith.constant 16 : i32
    %shift_left3A_101 = vector.broadcast %shift_left3A_100 : i32 to vector<2048x512xi32>
    %shift_left3A_102 = arith.shli %xor3A_98, %shift_left3A_101 : vector<2048x512xi32>
    %shift_right_logical3A_103 = arith.constant 16 : i32
    %shift_right_logical3A_104 = vector.broadcast %shift_right_logical3A_103 : i32 to vector<2048x512xi32>
    %shift_right_logical3A_105 = arith.shrui %xor3A_98, %shift_right_logical3A_104 : vector<2048x512xi32>
    %or3A_106 = arith.ori %shift_left3A_102, %shift_right_logical3A_105 : vector<2048x512xi32>
    %xor3A_107 = arith.xori %add3A_99, %or3A_106 : vector<2048x512xi32>
    %add3A_108 = arith.addi %add3A_99, %xor3A_107 : vector<2048x512xi32>
    %shift_left3A_109 = arith.constant 24 : i32
    %shift_left3A_110 = vector.broadcast %shift_left3A_109 : i32 to vector<2048x512xi32>
    %shift_left3A_111 = arith.shli %xor3A_107, %shift_left3A_110 : vector<2048x512xi32>
    %shift_right_logical3A_112 = arith.constant 8 : i32
    %shift_right_logical3A_113 = vector.broadcast %shift_right_logical3A_112 : i32 to vector<2048x512xi32>
    %shift_right_logical3A_114 = arith.shrui %xor3A_107, %shift_right_logical3A_113 : vector<2048x512xi32>
    %or3A_115 = arith.ori %shift_left3A_111, %shift_right_logical3A_114 : vector<2048x512xi32>
    %xor3A_116 = arith.xori %add3A_108, %or3A_115 : vector<2048x512xi32>
    %add3A_117 = arith.constant 466689008 : i32
    %add3A_118 = vector.broadcast %add3A_117 : i32 to vector<2048x512xi32>
    %add3A_119 = arith.addi %add3A_108, %add3A_118 : vector<2048x512xi32>
    %add3A_120 = arith.constant 0 : i32
    %add3A_121 = vector.broadcast %add3A_120 : i32 to vector<2048x512xi32>
    %add3A_122 = arith.addi %xor3A_116, %add3A_121 : vector<2048x512xi32>
    %add3A_123 = arith.constant 2 : i32
    %add3A_124 = vector.broadcast %add3A_123 : i32 to vector<2048x512xi32>
    %add3A_125 = arith.addi %add3A_122, %add3A_124 : vector<2048x512xi32>
    %add3A_126 = arith.addi %add3A_119, %add3A_125 : vector<2048x512xi32>
    %shift_left3A_127 = arith.constant 13 : i32
    %shift_left3A_128 = vector.broadcast %shift_left3A_127 : i32 to vector<2048x512xi32>
    %shift_left3A_129 = arith.shli %add3A_125, %shift_left3A_128 : vector<2048x512xi32>
    %shift_right_logical3A_130 = arith.constant 19 : i32
    %shift_right_logical3A_131 = vector.broadcast %shift_right_logical3A_130 : i32 to vector<2048x512xi32>
    %shift_right_logical3A_132 = arith.shrui %add3A_125, %shift_right_logical3A_131 : vector<2048x512xi32>
    %or3A_133 = arith.ori %shift_left3A_129, %shift_right_logical3A_132 : vector<2048x512xi32>
    %xor3A_134 = arith.xori %add3A_126, %or3A_133 : vector<2048x512xi32>
    %add3A_135 = arith.addi %add3A_126, %xor3A_134 : vector<2048x512xi32>
    %shift_left3A_136 = arith.constant 15 : i32
    %shift_left3A_137 = vector.broadcast %shift_left3A_136 : i32 to vector<2048x512xi32>
    %shift_left3A_138 = arith.shli %xor3A_134, %shift_left3A_137 : vector<2048x512xi32>
    %shift_right_logical3A_139 = arith.constant 17 : i32
    %shift_right_logical3A_140 = vector.broadcast %shift_right_logical3A_139 : i32 to vector<2048x512xi32>
    %shift_right_logical3A_141 = arith.shrui %xor3A_134, %shift_right_logical3A_140 : vector<2048x512xi32>
    %or3A_142 = arith.ori %shift_left3A_138, %shift_right_logical3A_141 : vector<2048x512xi32>
    %xor3A_143 = arith.xori %add3A_135, %or3A_142 : vector<2048x512xi32>
    %add3A_144 = arith.addi %add3A_135, %xor3A_143 : vector<2048x512xi32>
    %shift_left3A_145 = arith.constant 26 : i32
    %shift_left3A_146 = vector.broadcast %shift_left3A_145 : i32 to vector<2048x512xi32>
    %shift_left3A_147 = arith.shli %xor3A_143, %shift_left3A_146 : vector<2048x512xi32>
    %shift_right_logical3A_148 = arith.constant 6 : i32
    %shift_right_logical3A_149 = vector.broadcast %shift_right_logical3A_148 : i32 to vector<2048x512xi32>
    %shift_right_logical3A_150 = arith.shrui %xor3A_143, %shift_right_logical3A_149 : vector<2048x512xi32>
    %or3A_151 = arith.ori %shift_left3A_147, %shift_right_logical3A_150 : vector<2048x512xi32>
    %xor3A_152 = arith.xori %add3A_144, %or3A_151 : vector<2048x512xi32>
    %add3A_153 = arith.addi %add3A_144, %xor3A_152 : vector<2048x512xi32>
    %shift_left3A_154 = arith.constant 6 : i32
    %shift_left3A_155 = vector.broadcast %shift_left3A_154 : i32 to vector<2048x512xi32>
    %shift_left3A_156 = arith.shli %xor3A_152, %shift_left3A_155 : vector<2048x512xi32>
    %shift_right_logical3A_157 = arith.constant 26 : i32
    %shift_right_logical3A_158 = vector.broadcast %shift_right_logical3A_157 : i32 to vector<2048x512xi32>
    %shift_right_logical3A_159 = arith.shrui %xor3A_152, %shift_right_logical3A_158 : vector<2048x512xi32>
    %or3A_160 = arith.ori %shift_left3A_156, %shift_right_logical3A_159 : vector<2048x512xi32>
    %xor3A_161 = arith.xori %add3A_153, %or3A_160 : vector<2048x512xi32>
    %add3A_162 = arith.constant 0 : i32
    %add3A_163 = vector.broadcast %add3A_162 : i32 to vector<2048x512xi32>
    %add3A_164 = arith.addi %add3A_153, %add3A_163 : vector<2048x512xi32>
    %add3A_165 = arith.constant 42 : i32
    %add3A_166 = vector.broadcast %add3A_165 : i32 to vector<2048x512xi32>
    %add3A_167 = arith.addi %xor3A_161, %add3A_166 : vector<2048x512xi32>
    %add3A_168 = arith.constant 3 : i32
    %add3A_169 = vector.broadcast %add3A_168 : i32 to vector<2048x512xi32>
    %add3A_170 = arith.addi %add3A_167, %add3A_169 : vector<2048x512xi32>
    %add3A_171 = arith.addi %add3A_164, %add3A_170 : vector<2048x512xi32>
    %shift_left3A_172 = arith.constant 17 : i32
    %shift_left3A_173 = vector.broadcast %shift_left3A_172 : i32 to vector<2048x512xi32>
    %shift_left3A_174 = arith.shli %add3A_170, %shift_left3A_173 : vector<2048x512xi32>
    %shift_right_logical3A_175 = arith.constant 15 : i32
    %shift_right_logical3A_176 = vector.broadcast %shift_right_logical3A_175 : i32 to vector<2048x512xi32>
    %shift_right_logical3A_177 = arith.shrui %add3A_170, %shift_right_logical3A_176 : vector<2048x512xi32>
    %or3A_178 = arith.ori %shift_left3A_174, %shift_right_logical3A_177 : vector<2048x512xi32>
    %xor3A_179 = arith.xori %add3A_171, %or3A_178 : vector<2048x512xi32>
    %add3A_180 = arith.addi %add3A_171, %xor3A_179 : vector<2048x512xi32>
    %shift_left3A_181 = arith.constant 29 : i32
    %shift_left3A_182 = vector.broadcast %shift_left3A_181 : i32 to vector<2048x512xi32>
    %shift_left3A_183 = arith.shli %xor3A_179, %shift_left3A_182 : vector<2048x512xi32>
    %shift_right_logical3A_184 = arith.constant 3 : i32
    %shift_right_logical3A_185 = vector.broadcast %shift_right_logical3A_184 : i32 to vector<2048x512xi32>
    %shift_right_logical3A_186 = arith.shrui %xor3A_179, %shift_right_logical3A_185 : vector<2048x512xi32>
    %or3A_187 = arith.ori %shift_left3A_183, %shift_right_logical3A_186 : vector<2048x512xi32>
    %xor3A_188 = arith.xori %add3A_180, %or3A_187 : vector<2048x512xi32>
    %add3A_189 = arith.addi %add3A_180, %xor3A_188 : vector<2048x512xi32>
    %shift_left3A_190 = arith.constant 16 : i32
    %shift_left3A_191 = vector.broadcast %shift_left3A_190 : i32 to vector<2048x512xi32>
    %shift_left3A_192 = arith.shli %xor3A_188, %shift_left3A_191 : vector<2048x512xi32>
    %shift_right_logical3A_193 = arith.constant 16 : i32
    %shift_right_logical3A_194 = vector.broadcast %shift_right_logical3A_193 : i32 to vector<2048x512xi32>
    %shift_right_logical3A_195 = arith.shrui %xor3A_188, %shift_right_logical3A_194 : vector<2048x512xi32>
    %or3A_196 = arith.ori %shift_left3A_192, %shift_right_logical3A_195 : vector<2048x512xi32>
    %xor3A_197 = arith.xori %add3A_189, %or3A_196 : vector<2048x512xi32>
    %add3A_198 = arith.addi %add3A_189, %xor3A_197 : vector<2048x512xi32>
    %shift_left3A_199 = arith.constant 24 : i32
    %shift_left3A_200 = vector.broadcast %shift_left3A_199 : i32 to vector<2048x512xi32>
    %shift_left3A_201 = arith.shli %xor3A_197, %shift_left3A_200 : vector<2048x512xi32>
    %shift_right_logical3A_202 = arith.constant 8 : i32
    %shift_right_logical3A_203 = vector.broadcast %shift_right_logical3A_202 : i32 to vector<2048x512xi32>
    %shift_right_logical3A_204 = arith.shrui %xor3A_197, %shift_right_logical3A_203 : vector<2048x512xi32>
    %or3A_205 = arith.ori %shift_left3A_201, %shift_right_logical3A_204 : vector<2048x512xi32>
    %xor3A_206 = arith.xori %add3A_198, %or3A_205 : vector<2048x512xi32>
    %add3A_207 = arith.constant 42 : i32
    %add3A_208 = vector.broadcast %add3A_207 : i32 to vector<2048x512xi32>
    %add3A_209 = arith.addi %add3A_198, %add3A_208 : vector<2048x512xi32>
    %add3A_210 = arith.constant 466689008 : i32
    %add3A_211 = vector.broadcast %add3A_210 : i32 to vector<2048x512xi32>
    %add3A_212 = arith.addi %xor3A_206, %add3A_211 : vector<2048x512xi32>
    %add3A_213 = arith.constant 4 : i32
    %add3A_214 = vector.broadcast %add3A_213 : i32 to vector<2048x512xi32>
    %add3A_215 = arith.addi %add3A_212, %add3A_214 : vector<2048x512xi32>
    %add3A_216 = arith.addi %add3A_209, %add3A_215 : vector<2048x512xi32>
    %shift_left3A_217 = arith.constant 13 : i32
    %shift_left3A_218 = vector.broadcast %shift_left3A_217 : i32 to vector<2048x512xi32>
    %shift_left3A_219 = arith.shli %add3A_215, %shift_left3A_218 : vector<2048x512xi32>
    %shift_right_logical3A_220 = arith.constant 19 : i32
    %shift_right_logical3A_221 = vector.broadcast %shift_right_logical3A_220 : i32 to vector<2048x512xi32>
    %shift_right_logical3A_222 = arith.shrui %add3A_215, %shift_right_logical3A_221 : vector<2048x512xi32>
    %or3A_223 = arith.ori %shift_left3A_219, %shift_right_logical3A_222 : vector<2048x512xi32>
    %xor3A_224 = arith.xori %add3A_216, %or3A_223 : vector<2048x512xi32>
    %add3A_225 = arith.addi %add3A_216, %xor3A_224 : vector<2048x512xi32>
    %shift_left3A_226 = arith.constant 15 : i32
    %shift_left3A_227 = vector.broadcast %shift_left3A_226 : i32 to vector<2048x512xi32>
    %shift_left3A_228 = arith.shli %xor3A_224, %shift_left3A_227 : vector<2048x512xi32>
    %shift_right_logical3A_229 = arith.constant 17 : i32
    %shift_right_logical3A_230 = vector.broadcast %shift_right_logical3A_229 : i32 to vector<2048x512xi32>
    %shift_right_logical3A_231 = arith.shrui %xor3A_224, %shift_right_logical3A_230 : vector<2048x512xi32>
    %or3A_232 = arith.ori %shift_left3A_228, %shift_right_logical3A_231 : vector<2048x512xi32>
    %xor3A_233 = arith.xori %add3A_225, %or3A_232 : vector<2048x512xi32>
    %add3A_234 = arith.addi %add3A_225, %xor3A_233 : vector<2048x512xi32>
    %shift_left3A_235 = arith.constant 26 : i32
    %shift_left3A_236 = vector.broadcast %shift_left3A_235 : i32 to vector<2048x512xi32>
    %shift_left3A_237 = arith.shli %xor3A_233, %shift_left3A_236 : vector<2048x512xi32>
    %shift_right_logical3A_238 = arith.constant 6 : i32
    %shift_right_logical3A_239 = vector.broadcast %shift_right_logical3A_238 : i32 to vector<2048x512xi32>
    %shift_right_logical3A_240 = arith.shrui %xor3A_233, %shift_right_logical3A_239 : vector<2048x512xi32>
    %or3A_241 = arith.ori %shift_left3A_237, %shift_right_logical3A_240 : vector<2048x512xi32>
    %xor3A_242 = arith.xori %add3A_234, %or3A_241 : vector<2048x512xi32>
    %add3A_243 = arith.addi %add3A_234, %xor3A_242 : vector<2048x512xi32>
    %shift_left3A_244 = arith.constant 6 : i32
    %shift_left3A_245 = vector.broadcast %shift_left3A_244 : i32 to vector<2048x512xi32>
    %shift_left3A_246 = arith.shli %xor3A_242, %shift_left3A_245 : vector<2048x512xi32>
    %shift_right_logical3A_247 = arith.constant 26 : i32
    %shift_right_logical3A_248 = vector.broadcast %shift_right_logical3A_247 : i32 to vector<2048x512xi32>
    %shift_right_logical3A_249 = arith.shrui %xor3A_242, %shift_right_logical3A_248 : vector<2048x512xi32>
    %or3A_250 = arith.ori %shift_left3A_246, %shift_right_logical3A_249 : vector<2048x512xi32>
    %xor3A_251 = arith.xori %add3A_243, %or3A_250 : vector<2048x512xi32>
    %add3A_252 = arith.constant 466689008 : i32
    %add3A_253 = vector.broadcast %add3A_252 : i32 to vector<2048x512xi32>
    %add3A_254 = arith.addi %add3A_243, %add3A_253 : vector<2048x512xi32>
    %add3A_255 = arith.constant 0 : i32
    %add3A_256 = vector.broadcast %add3A_255 : i32 to vector<2048x512xi32>
    %add3A_257 = arith.addi %xor3A_251, %add3A_256 : vector<2048x512xi32>
    %add3A_258 = arith.constant 5 : i32
    %add3A_259 = vector.broadcast %add3A_258 : i32 to vector<2048x512xi32>
    %add3A_260 = arith.addi %add3A_257, %add3A_259 : vector<2048x512xi32>
    %xor3A_261 = arith.xori %add3A_254, %add3A_260 : vector<2048x512xi32>
    %shift_right_logical3A_262 = arith.constant 9 : i32
    %shift_right_logical3A_263 = vector.broadcast %shift_right_logical3A_262 : i32 to vector<2048x512xi32>
    %shift_right_logical3A_264 = arith.shrui %xor3A_261, %shift_right_logical3A_263 : vector<2048x512xi32>
    %or3A_265 = arith.constant 1065353216 : i32
    %or3A_266 = vector.broadcast %or3A_265 : i32 to vector<2048x512xi32>
    %or3A_267 = arith.ori %shift_right_logical3A_264, %or3A_266 : vector<2048x512xi32>
    %bitcast_convert_type3A = tpu.bitcast %or3A_267 : vector<2048x512xi32> -> vector<2048x512xf32>
    %sub3A_268 = arith.constant 1.000000e+00 : f32
    %sub3A_269 = vector.broadcast %sub3A_268 : f32 to vector<2048x512xf32>
    %sub3A_270 = arith.subf %bitcast_convert_type3A, %sub3A_269 : vector<2048x512xf32>
    %mul3A_271 = arith.constant 1.000000e+00 : f32
    %mul3A_272 = vector.broadcast %mul3A_271 : f32 to vector<2048x512xf32>
    %mul3A_273 = arith.mulf %sub3A_270, %mul3A_272 : vector<2048x512xf32>
    %add3A_274 = arith.constant 1.17549435E-38 : f32
    %add3A_275 = vector.broadcast %add3A_274 : f32 to vector<2048x512xf32>
    %add3A_276 = arith.addf %mul3A_273, %add3A_275 : vector<2048x512xf32>
    %max3A_277 = arith.constant 1.17549435E-38 : f32
    %max3A_278 = vector.broadcast %max3A_277 : f32 to vector<2048x512xf32>
    %max3A_279 = arith.maximumf %max3A_278, %add3A_276 : vector<2048x512xf32>
    %log3A = math.log %max3A_279 : vector<2048x512xf32>
    %neg3A = arith.constant 0.000000e+00 : f32
    %neg3A_280 = vector.broadcast %neg3A : f32 to vector<2048x512xf32>
    %neg3A_281 = arith.subf %neg3A_280, %log3A : vector<2048x512xf32>
    %log3A_282 = math.log %neg3A_281 : vector<2048x512xf32>
    %neg3A_283 = arith.constant 0.000000e+00 : f32
    %neg3A_284 = vector.broadcast %neg3A_283 : f32 to vector<2048x512xf32>
    %neg3A_285 = arith.subf %neg3A_284, %log3A_282 : vector<2048x512xf32>
    %jit3A = arith.constant 0xFF800000 : f32
    %broadcast_in_dim3A_286 = vector.broadcast %jit3A : f32 to vector<2048x512xf32>
    %select_n3A = arith.select %lt3A_23, %neg3A_285, %broadcast_in_dim3A_286 : vector<2048x512xi1>, vector<2048x512xf32>
    %reduce_max3A = arith.constant dense<0xFF800000> : vector<2048xf32>
    %reduce_max3A_287 = vector.multi_reduction <maximumf>, %select_n3A, %reduce_max3A [1] : vector<2048x512xf32> to vector<2048xf32>
    %broadcast_in_dim3A_288 = vector.shape_cast %reduce_max3A_287 : vector<2048xf32> to vector<2048x1xf32>
    %eq3A_289 = vector.broadcast %broadcast_in_dim3A_288 : vector<2048x1xf32> to vector<2048x512xf32>
    %eq3A_290 = arith.cmpf oeq, %select_n3A, %eq3A_289 : vector<2048x512xf32>
    %jit3A_291 = arith.constant 2147483647 : i32
    %broadcast_in_dim3A_292 = vector.broadcast %jit3A_291 : i32 to vector<2048x512xi32>
    %select_n3A_293 = arith.select %eq3A_290, %add3A_28, %broadcast_in_dim3A_292 : vector<2048x512xi1>, vector<2048x512xi32>
    %reduce_min3A = arith.constant dense<2147483647> : vector<2048xi32>
    %reduce_min3A_294 = vector.multi_reduction <minsi>, %select_n3A_293, %reduce_min3A [1] : vector<2048x512xi32> to vector<2048xi32>
    %broadcast_in_dim3A_295 = vector.shape_cast %reduce_min3A_294 : vector<2048xi32> to vector<2048x1xi32>
    %eq3A_296 = arith.constant 0 : i32
    %eq3A_297 = arith.cmpi eq, %arg0, %eq3A_296 : i32
    %convert_element_type3A_298 = arith.extui %eq3A_297 : i1 to i32
    %cond3A_299 = arith.constant 0 : i32
    %cond3A_300 = arith.cmpi ne, %convert_element_type3A_298, %cond3A_299 : i32
    scf.if %cond3A_300 {
      %swap3A = arith.constant 0 : index
      %swap3A_305 = arith.constant 0 : index
      %swap3A_306 = vector.load %arg6[%swap3A, %swap3A_305] : memref<2048x1xf32, #tpu.memory_space<vmem>>, vector<2048x1xf32>
      tpu.vector_store %arg6[%swap3A, %swap3A_305], %broadcast_in_dim3A_288 {strides = array<i32>} : memref<2048x1xf32, #tpu.memory_space<vmem>>, vector<2048x1xf32>,
      %swap3A_307 = arith.constant 0 : index
      %swap3A_308 = arith.constant 0 : index
      %swap3A_309 = vector.load %arg7[%swap3A_307, %swap3A_308] : memref<2048x1xi32, #tpu.memory_space<vmem>>, vector<2048x1xi32>
      tpu.vector_store %arg7[%swap3A_307, %swap3A_308], %broadcast_in_dim3A_295 {strides = array<i32>} : memref<2048x1xi32, #tpu.memory_space<vmem>>, vector<2048x1xi32>,
      %get3A_310 = arith.constant 0 : index
      %get3A_311 = arith.constant 1 : index
      %get3A_312 = vector.load %arg5[%get3A_310, %get3A_311] : memref<2048x2xf32, #tpu.memory_space<vmem>>, vector<2048x1xf32>
      %get3A_313 = arith.constant 0 : index
      %get3A_314 = arith.constant 0 : index
      %get3A_315 = vector.load %arg2[%get3A_313, %get3A_314] : memref<2048x128xf32, #tpu.memory_space<vmem>>, vector<2048x128xf32>
      %mul3A_316 = vector.broadcast %get3A_312 : vector<2048x1xf32> to vector<2048x128xf32>
      %mul3A_317 = arith.mulf %mul3A_316, %get3A_315 : vector<2048x128xf32>
      %swap3A_318 = arith.constant 0 : index
      %swap3A_319 = arith.constant 0 : index
      %swap3A_320 = vector.load %arg8[%swap3A_318, %swap3A_319] : memref<2048x128xf32, #tpu.memory_space<vmem>>, vector<2048x128xf32>
      tpu.vector_store %arg8[%swap3A_318, %swap3A_319], %mul3A_317 {strides = array<i32>} : memref<2048x128xf32, #tpu.memory_space<vmem>>, vector<2048x128xf32>,
    } else {
    }
    %gt3A = arith.constant 0 : i32
    %gt3A_301 = arith.cmpi sgt, %arg0, %gt3A : i32
    %convert_element_type3A_302 = arith.extui %gt3A_301 : i1 to i32
    %cond3A_303 = arith.constant 0 : i32
    %cond3A_304 = arith.cmpi ne, %convert_element_type3A_302, %cond3A_303 : i32
    scf.if %cond3A_304 {
      %get3A_305 = arith.constant 0 : index
      %get3A_306 = arith.constant 0 : index
      %get3A_307 = vector.load %arg6[%get3A_305, %get3A_306] : memref<2048x1xf32, #tpu.memory_space<vmem>>, vector<2048x1xf32>
      %gt3A_308 = arith.cmpf ogt, %broadcast_in_dim3A_288, %get3A_307 : vector<2048x1xf32>
      %get3A_309 = arith.constant 0 : index
      %get3A_310 = arith.constant 0 : index
      %get3A_311 = vector.load %arg6[%get3A_309, %get3A_310] : memref<2048x1xf32, #tpu.memory_space<vmem>>, vector<2048x1xf32>
      %max3A_312 = arith.maximumf %get3A_311, %broadcast_in_dim3A_288 : vector<2048x1xf32>
      %swap3A = arith.constant 0 : index
      %swap3A_313 = arith.constant 0 : index
      %swap3A_314 = vector.load %arg6[%swap3A, %swap3A_313] : memref<2048x1xf32, #tpu.memory_space<vmem>>, vector<2048x1xf32>
      tpu.vector_store %arg6[%swap3A, %swap3A_313], %max3A_312 {strides = array<i32>} : memref<2048x1xf32, #tpu.memory_space<vmem>>, vector<2048x1xf32>,
      %get3A_315 = arith.constant 0 : index
      %get3A_316 = arith.constant 0 : index
      %get3A_317 = vector.load %arg7[%get3A_315, %get3A_316] : memref<2048x1xi32, #tpu.memory_space<vmem>>, vector<2048x1xi32>
      %select_n3A_318 = arith.select %gt3A_308, %broadcast_in_dim3A_295, %get3A_317 : vector<2048x1xi1>, vector<2048x1xi32>
      %swap3A_319 = arith.constant 0 : index
      %swap3A_320 = arith.constant 0 : index
      %swap3A_321 = vector.load %arg7[%swap3A_319, %swap3A_320] : memref<2048x1xi32, #tpu.memory_space<vmem>>, vector<2048x1xi32>
      tpu.vector_store %arg7[%swap3A_319, %swap3A_320], %select_n3A_318 {strides = array<i32>} : memref<2048x1xi32, #tpu.memory_space<vmem>>, vector<2048x1xi32>,
    } else {
    }
    return
  }
  func.func @transform_0(%arg0: i32) -> (i32, i32) {
    %c0_i32 = arith.constant 0 : i32
    %c0_i32_0 = arith.constant 0 : i32
    %c0_i32_1 = arith.constant 0 : i32
    return %c0_i32, %c0_i32_0 : i32, i32
  }
  func.func @transform_1(%arg0: i32) -> (i32, i32) {
    %c1_i32 = arith.constant 1 : i32
    %c0_i32 = arith.constant 0 : i32
    %c0_i32_0 = arith.constant 0 : i32
    return %c1_i32, %c0_i32 : i32, i32
  }
  func.func @transform_2(%arg0: i32) -> (i32, i32) {
    %add3A = arith.constant 8 : i32
    %add3A_0 = arith.addi %add3A, %arg0 : i32
    %c0_i32 = arith.constant 0 : i32
    %c0_i32_1 = arith.constant 0 : i32
    return %add3A_0, %c0_i32 : i32, i32
  }
  func.func @transform_3(%arg0: i32) -> (i32, i32) {
    %c0_i32 = arith.constant 0 : i32
    %c0_i32_0 = arith.constant 0 : i32
    return %c0_i32, %arg0 : i32, i32
  }
  func.func @transform_4(%arg0: i32) -> (i32, i32) {
    %c0_i32 = arith.constant 0 : i32
    %c0_i32_0 = arith.constant 0 : i32
    %c0_i32_1 = arith.constant 0 : i32
    return %c0_i32, %c0_i32_0 : i32, i32
  }
  func.func @transform_5(%arg0: i32) -> (i32, i32) {
    %c0_i32 = arith.constant 0 : i32
    %c0_i32_0 = arith.constant 0 : i32
    %c0_i32_1 = arith.constant 0 : i32
    return %c0_i32, %c0_i32_0 : i32, i32
  }
  func.func @transform_6(%arg0: i32) -> (i32, i32) {
    %c0_i32 = arith.constant 0 : i32
    %c0_i32_0 = arith.constant 0 : i32
    %c0_i32_1 = arith.constant 0 : i32
    return %c0_i32, %c0_i32_0 : i32, i32
  }
  func.func @transform_7(%arg0: i32) -> (i32, i32) {
    %c0_i32 = arith.constant 0 : i32
    %c0_i32_0 = arith.constant 0 : i32
    %c0_i32_1 = arith.constant 0 : i32
    return %c0_i32, %c0_i32_0 : i32, i32
  }
}

</mosaic_0001>

<sc_bundles>
// kernel: kernel.4.cloned.1.call-start
scs
__scs_entry_jumppad:
0x0: {  	(pc) =	sbr.rel $0x88, $3  }
0x1: {  	(tag) =	ssettag $0x0;
	lr =	simm.s32 $0x1  }
0x2: {  	[smem:$0x3F9B] =	sst lr;
	_ =	strace $0xD0000000  }
0x3: {  	_ = 	snop  }
0x4: {  	_ = 	snop  }
0x5: {  	_ = 	snop  }
0x6: {  	_ = 	snop  }
0x7: {  	_ = 	snop  }
__scs_overlays_trampoline_lowered:
0x8: {  	[smem:$0x3FAA] =	sst s0  }
0x9: {  	[smem:$0x3FAB] =	sst s1  }
0xa: {  	[smem:$0x3FAC] =	sst s2  }
0xb: {  	[smem:$0x3FAD] =	sst s3  }
0xc: {  	[smem:$0x3FAE] =	sst s4  }
0xd: {  	[smem:$0x3FAF] =	sst s5  }
0xe: {  	[smem:$0x3FB0] =	sst s6  }
0xf: {  	[smem:$0x3FB1] =	sst s7  }
0x10: {  	[smem:$0x3FB2] =	sst s8  }
0x11: {  	[smem:$0x3FB3] =	sst s9;
	s0 =	simm.s32 @!p0 $0x0  }
0x12: {  	s1 =	sld [smem:$0x3F99];
	s0 =	simm.s32 @p0 $0x1  }
0x13: {  	[smem:$0x3FB4] =	sst s0;
	s0 =	simm.s32 @!p1 $0x0  }
0x14: {  	s2 =	sld [smem:$0x3F98];
	s0 =	simm.s32 @p1 $0x1  }
0x15: {  	[smem:$0x3FB5] =	sst s0;
	s0 =	simm.s32 @!p2 $0x0  }
0x16: {  	s3 =	sld [smem:$0x3FDB];
	s0 =	simm.s32 @p2 $0x1  }
0x17: {  	s4 =	simm.s32 $0x1BF5;
	[smem:$0x3FB7] =	sst s0  }
0x18: {  	s0 =	sld [smem:$0x3F9A];
	_ =	swait.ge [sflag:s4], $0x0  }
0x19: {  	s7 =	sld [smem:$0x3F9B]  }
0x1a: {  	s8 =	sadd.s32 $0xFFFFE003, lr  }
0x1b: {  	s9 =	sadd.s32 $0xFFFFFEF7, lr;
	s5 =	simm.s32 $0xFFFFFFFF;
	p2 =	slt.u32 s8, $0xFFFFF086  }
0x1c: {  	p1 =	slt.u32 s9, $0xF7A;
	s5 =	simm.s32 @!p2 $0x0  }
0x1d: {  	s5 =	simm.s32 @p1 $0x1;
	p0 =	seq.s32 s7, s2  }
0x1e: {  	s7 =	smul.u32 @!p0 $0xF7A, s2;
	p2 =	seq.s32 @!p0 s5, $0x0  }
0x1f: {  	s9 =	smul.u32 $0xF7A, s1;
	s8 =	simm.s32 @!p0 $0x1BF5;
	p2 =	por !p2, p0  }
0x20: {  	[sflag:s8] =	ssyncset.s32 @!p0 $0xFFFFF086;
	s6 =	sadd.s32 @!p0 s3, s7;
	s7 =	simm.s32 @!p0 $0x108  }
0x21: {  	s3 =	sadd.s32 s3, s9;
	s6 =	sadd.s32 @!p0 $0x88, s6;
	s7 =	simm.s32 @p2 $0x1082  }
0x22: {  	[simem:s7], [sflag:s8] =	dma.local @!p0 [hbm:s6], $0xF7A  }
0x23: {  	s9 =	sor.u32 $0xD0000000, s2;
	s6 =	simm.s32 $0x108;
	_ =	swait.ge @!p0 [sflag:s8], $0x0  }
0x24: {  	s3 =	sadd.s32 $0x88, s3;
	s6 =	simm.s32 @!p1 $0x1082;
	[sflag:s4] =	ssyncset.s32 $0xFFFFF086  }
0x25: {  	[simem:s6], [sflag:s4] =	dma.local [hbm:s3], $0xF7A  }
0x26: {  	[smem:$0x3F9B] =	sst s1;
	(tag) =	ssettag s2;
	_ =	strace s9  }
0x27: {  	s1 =	sld [smem:$0x3FAB]  }
0x28: {  	s2 =	sld [smem:$0x3FAC]  }
0x29: {  	s4 =	sld [smem:$0x3FAE]  }
0x2a: {  	p0 =	seq.s32 s5, $0x0;
	s5 =	sld [smem:$0x3FAF]  }
0x2b: {  	s6 =	sld [smem:$0x3FB0]  }
0x2c: {  	s7 =	sld [smem:$0x3FB1]  }
0x2d: {  	s3 =	simm.s32 $0x108;
	s8 =	sld [smem:$0x3FB2]  }
0x2e: {  	s3 =	simm.s32 @!p0 $0x1082;
	s9 =	sld [smem:$0x3FB3]  }
0x2f: {  	lr =	sadd.s32 s0, s3;
	s0 =	sld [smem:$0x3FAA]  }
0x30: {  	s3 =	sld [smem:$0x3FAD]  }
0x31: {  	[smem:$0x3FB6] =	sst s10  }
0x32: {  	s10 =	sld [smem:$0x3FB4];
	_ =	sdelay $0x3  }
0x33: {  	p0 =	seq.s32 s10, $0x1;
	s10 =	sld [smem:$0x3FB6];
	_ =	sdelay $0x3  }
0x34: {  	[smem:$0x3FB6] =	sst s10  }
0x35: {  	s10 =	sld [smem:$0x3FB5];
	_ =	sdelay $0x3  }
0x36: {  	p1 =	seq.s32 s10, $0x1;
	s10 =	sld [smem:$0x3FB6];
	_ =	sdelay $0x3  }
0x37: {  	[smem:$0x3FB6] =	sst s10  }
0x38: {  	s10 =	sld [smem:$0x3FB7]  }
0x39: {  	_ = 	snop;
	(pc) =	sbr.ind lr, $3  }
0x3a: {  	_ = 	snop  }
0x3b: {  	_ = 	snop  }
0x3c: {  	p2 =	seq.s32 s10, $0x1;
	s10 =	sld [smem:$0x3FB6]  }
0x3d: {  	_ =	shalt  }
0x3e: {  	_ =	shalt  }
0x3f: {  	_ =	shalt  }
0x40: {  	_ =	shalt  }
0x41: {  	_ =	shalt  }
0x42: {  	_ =	shalt  }
0x43: {  	_ =	shalt  }
0x44: {  	_ =	shalt  }
0x45: {  	_ =	shalt  }
0x46: {  	_ =	shalt  }
0x47: {  	_ =	shalt  }
0x48: {  	_ =	shalt  }
0x49: {  	_ =	shalt  }
0x4a: {  	_ =	shalt  }
0x4b: {  	_ =	shalt  }
0x4c: {  	_ =	shalt  }
0x4d: {  	_ =	shalt  }
0x4e: {  	_ =	shalt  }
0x4f: {  	_ =	shalt  }
0x50: {  	_ =	shalt  }
0x51: {  	_ =	shalt  }
0x52: {  	_ =	shalt  }
0x53: {  	_ =	shalt  }
0x54: {  	_ =	shalt  }
0x55: {  	_ =	shalt  }
0x56: {  	_ =	shalt  }
0x57: {  	_ =	shalt  }
0x58: {  	_ =	shalt  }
0x59: {  	_ =	shalt  }
0x5a: {  	_ =	shalt  }
0x5b: {  	_ =	shalt  }
0x5c: {  	_ =	shalt  }
0x5d: {  	_ =	shalt  }
0x5e: {  	_ =	shalt  }
0x5f: {  	_ =	shalt  }
0x60: {  	_ =	shalt  }
0x61: {  	_ =	shalt  }
0x62: {  	_ =	shalt  }
0x63: {  	_ =	shalt  }
0x64: {  	_ =	shalt  }
0x65: {  	_ =	shalt  }
0x66: {  	_ =	shalt  }
0x67: {  	_ =	shalt  }
0x68: {  	_ =	shalt  }
0x69: {  	_ =	shalt  }
0x6a: {  	_ =	shalt  }
0x6b: {  	_ =	shalt  }
0x6c: {  	_ =	shalt  }
0x6d: {  	_ =	shalt  }
0x6e: {  	_ =	shalt  }
0x6f: {  	_ =	shalt  }
0x70: {  	_ =	shalt  }
0x71: {  	_ =	shalt  }
0x72: {  	_ =	shalt  }
0x73: {  	_ =	shalt  }
0x74: {  	_ =	shalt  }
0x75: {  	_ =	shalt  }
0x76: {  	_ =	shalt  }
0x77: {  	_ =	shalt  }
0x78: {  	_ =	shalt  }
0x79: {  	_ =	shalt  }
0x7a: {  	_ =	shalt  }
0x7b: {  	_ =	shalt  }
0x7c: {  	_ =	shalt  }
0x7d: {  	_ =	shalt  }
0x7e: {  	_ =	shalt  }
0x7f: {  	_ =	shalt  }
0x80: {  	_ =	shalt  }
0x81: {  	_ =	shalt  }
0x82: {  	_ =	shalt  }
0x83: {  	_ =	shalt  }
0x84: {  	_ =	shalt  }
0x85: {  	_ =	shalt  }
0x86: {  	_ =	shalt  }
0x87: {  	_ =	shalt  }
.Lfunc_end0:
.L_simem_size_0:
called_computation_lowered:
.L_overlay_start_0:
0x88: {  	s2 =	sld [smem:$0x3FD9]  }
0x89: {  	s3 =	sld [smem:$0x3FFE];
	_ =	sdelay $0x1  }
0x8a: {  	s1 =	srdreg.scid  }
0x8b: {  	s0 =	sand.u32 $0x1, s1  }
0x8c: {  	s17 =	sshll.u32 s0, $0xA;
	s2 =	sadd.s32 s3, s2  }
0x8d: {  	s2 =	sadd.s32 s2, s17  }
0x8e: {  	[smem:$0x3FC2] =	sst s2  }
0x8f: {  	_ = 	snop  }
0x90: {  	s2 =	sld [smem:$0x3FD0];
	(tm) =	ssettm $0x1  }
0x91: {  	s18 =	sld [smem:$0x3FFB];
	_ =	sdelay $0x3  }
0x92: {  	_ =	strace s18  }
0x93: {  	s3 =	sld [smem:$0x3FFC];
	_ =	sdelay $0x3  }
0x94: {  	_ =	strace s3  }
0x95: {  	s3 =	sld [smem:$0x3FFD];
	_ =	sdelay $0x3  }
0x96: {  	_ =	strace s3  }
0x97: {  	_ =	strace $0x8FFFFFFF  }
0x98: {  	s19 =	sld [smem:$0x3FDB];
	_ =	sdelay $0x1  }
0x99: {  	s4 =	simm.s32 $_scs_section_size  }
0x9a: {  	s5 =	simm.s32 $_size__tile_overlayer_lowered;
	s6 =	simm.s32 $_tile_overlayer_lowered  }
0x9b: {  	s22 =	simm.s32 $0x1BFF;
	s21 =	sshll.u32 s6, $0x1;
	s3 =	sadd.s32 s4, s19  }
0x9c: {  	s7 =	simm.s32 $0x0;
	s20 =	sshll.u32 s5, $0x1;
	s5 =	sadd.s32 s21, s3  }
0x9d: {  	[timem:s7], [sflag:s22] =	dma.local [hbm:s5], s20  }
0x9e: {  	_ =	swait.ge [sflag:s22], s20  }
0x9f: {  	s4 =	ssub.s32 $0x0, s20;
	[sflag:s22] =	ssyncset.done $0x0  }
0xa0: {  	[sflag:s22] =	ssyncadd.s32 s4;
	_ =	sdelay $0x1  }
0xa1: {  	s23 =	simm.s32 $0x1B8B  }
0xa2: {  	_ =	swait.ge [sflag:s23], $0x1  }
0xa3: {  	[sflag:s23] =	ssyncset.done $0x0  }
0xa4: {  	s25 =	simm.s32 $0x1B8E;
	s24 =	sld [smem:$0x3FFE];
	[sflag:s23] =	ssyncadd.s32 $0xFFFFFFFF  }
0xa5: {  	s26 =	simm.s32 $execute0_lowered;
	[smem:$0x3FD2] =	sst s25  }
0xa6: {  	s5 =	sshll.u32 s26, $0x1;
	_ =	strace $0x80000046;
	[dreg:$0x1] =	wrdreg $0xFFFFFFFF  }
0xa7: {  	s28 =	simm.s32 $_size_execute0_lowered;
	s3 =	sadd.s32 s3, s5;
	[dreg:$0x0] =	wrdreg $0x0  }
0xa8: {  	s5 =	sshll.u32 s28, $0x1;
	[dreg:$0x2] =	wrdreg s3  }
0xa9: {  	[dreg:$0x3] =	wrdreg s5  }
0xaa: {  	[dreg:$0x4] =	wrdreg $0xC0  }
0xab: {  	_ =	task [dreg:s7], $0x5FFFF  }
0xac: {  	[dreg:$0x1] =	wrdreg $0xFFFFFFFF  }
0xad: {  	[dreg:$0x0] =	wrdreg $0x60  }
0xae: {  	[dreg:$0x2] =	wrdreg s24  }
0xaf: {  	[dreg:$0x3] =	wrdreg s2  }
0xb0: {  	[dreg:$0x4] =	wrdreg $0x9  }
0xb1: {  	_ =	task.clear_ibuf [dreg:s7], $0x5FFFF;
	_ =	strace $0x90000046  }
0xb2: {  	s29 =	simm.s32 $0x9;
	_ =	strace $0x80000048  }
0xb3: {  	_ =	swait.ge [sflag:s29], $0x1  }
0xb4: {  	[sflag:s29] =	ssyncadd.s32 $0xFFFFFFFF  }
0xb5: {  	_ =	strace $0x90000048  }
0xb6: {  	_ =	sfence  }
0xb7: {  	s30 =	sld [smem:$0x0];
	_ =	sdelay $0x2  }
0xb8: {  	s31 =	sshll.u32 s1, $0xD;
	s1 =	sshrl.u32 s1, $0x2  }
0xb9: {  	s3 =	sand.u32 $0x4000, s31;
	s1 =	sadd.s32 s1, s30  }
0xba: {  	s0 =	sor.u32 s3, s0;
	s1 =	sshll.u32 s1, $0x11  }
0xbb: {  	s0 =	sor.u32 s1, s0  }
0xbc: {  	s0 =	sadd.s32 $0x8F2B, s0  }
0xbd: {  	[sflag:s0] =	ssyncadd.remote.s32 $0x1  }
0xbe: {  	_ =	sfence.sel $0xFFFF  }
0xbf: {  	[dreg:$0x0] =	wrdreg $0xFFFFFFFF;
	(pc) =	sbr.abs _section_cstart, $3  }
0xc0: {  	[dreg:$0x1] =	wrdreg $0xFFFFFFFF  }
0xc1: {  	_ =	task.clear_ibuf [dreg:s7], $0x2FFFF;
	_ =	strace $0x9FFFFFFF  }
0xc2: {  	(tm) =	ssettm $0x7FFFFFFF  }
0xc3: {  	_ =	shalt  }
tec
execute0_lowered:
.L_overlay_start_1:
0x0: {  	(tag) =	ssettag $0x1  }
0x1: {  	s4 =	rddreg [dreg:$0x0]  }
0x2: {  	s7 =	rddreg [dreg:$0x1]  }
0x3: {  	s0 =	rddreg [dreg:$0x2]  }
0x4: {  	s3 =	srdreg.scid;
	s2 =	simm.s32 $0x0;
	s1 =	stileid.u32  }
0x5: {  	s12 =	simm.s32 $0x100;
	s13 =	simm.s32 $0x180;
	s5 =	sand.u32 $0x1, s3  }
0x6: {  	[smem:$0x7FF] =	sst s2;
	s31 =	sshll.u32 s1, $0x7;
	s6 =	sshll.u32 s5, $0x6  }
0x7: {  	s3 =	sadd.s32 $0x400, s4;
	s5 =	ssub.s32 $0x2, s5;
	s11 =	sor.u32 s6, s31  }
0x8: {  	_ =	strace $0x80000047;
	s9 =	sshrl.u32 s5, $0x1;
	s6 =	sshrl.u32 s11, $0x3  }
0x9: {  	v3 =	vlaneseq.u32;
	s8 =	sshll.u32 s11, $0x4;
	s9 =	ssub.s32 s5, s9;
	s14 =	sor.u32 $0x10, s11  }
0xa: {  	s15 =	sor.u32 $0x20, s11;
	s16 =	sor.u32 $0x30, s11;
	v0 =	vor.u32 s11, v3;
	s11 =	simm.s32 $0x40  }
0xb: {  	s6 =	sadd.s32 s6, s4;
	s10 =	sadd.s32 s8, s4;
	s7 =	sadd.s32 s7, s8  }
0xc: {  	s8 =	smax.u32 s9, $0x1;
	s9 =	simm.s32 $0x2;
	v1 =	vor.u32 s14, v3;
	s14 =	simm.s32 $0x2180  }
0xd: {  	v2 =	vor.u32 s15, v3;
	v3 =	vor.u32 s16, v3;
	s15 =	simm.s32 $0x1;
	s16 =	simm.s32 $0x0;
	s4 =	sadd.s32 $0x2C400, s6  }
0xe: {  	s5 =	sadd.s32 $0x2C600, s6;
	s6 =	sadd.s32 $0x24400, s10;
	s10 =	simm.s32 $0x80  }
.LBB2_1:
0xf: {  	[tilespmem:s2], [sflag:$0x2] =	stream.linear.gather [hbm4b:s4+s2], $0x40, $0x38;
	[tilespmem:$0x4180] =	vst v63  }
0x10: {  	_ =	swait.ge [sflag:s9], $0x40  }
0x11: {  	[sflag:s9] =	ssyncset.done $0x0  }
0x12: {  	[sflag:s9] =	ssyncadd.s32 $0xFFFFFFC0  }
0x13: {  	[tilespmem:s10], [sflag:$0x2] =	stream.linear.gather [hbm4b:s5+s2], $0x40, $0x38;
	[tilespmem:$0x4180] =	vst v63  }
0x14: {  	_ =	swait.ge [sflag:s9], $0x40  }
0x15: {  	[sflag:s9] =	ssyncset.done $0x0  }
0x16: {  	[sflag:s9] =	ssyncadd.s32 $0xFFFFFFC0  }
0x17: {  	v4 =	vld [tilespmem:$0x0]  }
0x18: {  	v5 =	vld [tilespmem:$0x80]  }
0x19: {  	v6 =	vld [tilespmem:$0x10]  }
0x1a: {  	v7 =	vld [tilespmem:$0x90]  }
0x1b: {  	v8 =	vld [tilespmem:$0x20]  }
0x1c: {  	v10 =	vld [tilespmem:$0x30];
	_ =	sdelay $0x1  }
0x1d: {  	v9 =	vld [tilespmem:$0xA0];
	vm0 =	vlt.f32 v4, $-Inf  }
0x1e: {  	vm1 =	vgt.f32 v4, $-Inf;
	vm2 =	vlt.f32 v6, $-Inf;
	vm3 =	vgt.f32 v6, $-Inf;
	v4 =	vld [tilespmem:$0xB0]  }
0x1f: {  	v5 =	vadd.s32 $0x1000, v5;
	v6 =	vadd.s32 $0x1000, v7;
	vm10 =	vlt.f32 v8, $-Inf  }
0x20: {  	vm11 =	vgt.f32 v8, $-Inf;
	vm13 =	vlt.f32 v10, $-Inf;
	vm0 =	vmor vm1, vm0  }
0x21: {  	vm14 =	vgt.f32 v10, $-Inf;
	vm9 =	vmor vm3, vm2;
	v5 =	vsel vm0, v5, v0  }
0x22: {  	vm12 =	vmor vm11, vm10;
	v6 =	vsel vm9, v6, v1;
	[tilespmem:$0x100] =	vst v5;
	v5 =	vadd.s32 $0x1000, v9  }
0x23: {  	vm15 =	vmor vm14, vm13;
	[tilespmem:$0x110] =	vst v6;
	v5 =	vsel vm12, v5, v2;
	v4 =	vadd.s32 $0x1000, v4  }
0x24: {  	[tilespmem:$0x120] =	vst v5;
	v4 =	vsel vm15, v4, v3  }
0x25: {  	[tilespmem:$0x130] =	vst v4  }
0x26: {  	[tilespmem:s13], [sflag:$0x1] =	stream.indirect.gather [hbm4b:s3+s11], $0x80, s12, s11, $0xb8;
	[tilespmem:$0x4180] =	vst v63  }
0x27: {  	_ = 	snop  }
0x28: {  	[tilespmem:s14], [sflag:$0x2] =	stream.linear.gather [hbm4b:s6+s2], $0x2000, $0x38;
	[tilespmem:$0x4180] =	vst v63  }
0x29: {  	_ =	swait.ge [sflag:s9], $0x2000  }
0x2a: {  	[sflag:s9] =	ssyncset.done $0x0  }
0x2b: {  	[sflag:s9] =	ssyncadd.s32 $0xFFFFE000  }
0x2c: {  	_ =	swait.ge [sflag:s15], $0x2000  }
0x2d: {  	[sflag:s15] =	ssyncset.done $0x0  }
0x2e: {  	s17 =	simm.s32 $0x0;
	[sflag:s15] =	ssyncadd.s32 $0xFFFFE000  }
0x2f: {  	v11 =	vld [tilespmem:s17+$0x2180]  }
0x30: {  	v15 =	vld [tilespmem:s17+$0x2190]  }
0x31: {  	v9 =	vld [tilespmem:s17+$0x21A0]  }
0x32: {  	v8 =	vld [tilespmem:s17+$0x21B0]  }
0x33: {  	v7 =	vld [tilespmem:s17+$0x21C0]  }
0x34: {  	v6 =	vld [tilespmem:s17+$0x21D0]  }
0x35: {  	v5 =	vld [tilespmem:s17+$0x21E0]  }
0x36: {  	v4 =	vld [tilespmem:s17+$0x21F0]  }
0x37: {  	v16 =	vld [tilespmem:s17+$0x180]  }
0x38: {  	v17 =	vld [tilespmem:s17+$0x190]  }
0x39: {  	v14 =	vld [tilespmem:s17+$0x1A0]  }
0x3a: {  	v13 =	vld [tilespmem:s17+$0x1B0]  }
0x3b: {  	v12 =	vld [tilespmem:s17+$0x1C0]  }
0x3c: {  	v10 =	vld [tilespmem:s17+$0x1D0];
	v16 =	vadd.f32 v11, v16  }
0x3d: {  	s18 =	simm.s32 $0x200;
	v15 =	vadd.f32 v15, v17;
	v11 =	vld [tilespmem:s17+$0x1E0]  }
.LBB2_2:
0x3e: {  	s19 =	sshra.s32 s18, $0x2;
	p0 =	sne.s32 s18, $0x7E00;
	[tilespmem:s17+$0x180] =	vst v16;
	v9 =	vadd.f32 v9, v14;
	v14 =	vld [tilespmem:s17+$0x1F0]  }
0x3f: {  	v16 =	vld [tilespmem:s19+$0x2180];
	[tilespmem:s17+$0x190] =	vst v15;
	v8 =	vadd.f32 v8, v13  }
0x40: {  	v15 =	vld [tilespmem:s19+$0x2190];
	[tilespmem:s17+$0x1A0] =	vst v9;
	v7 =	vadd.f32 v7, v12  }
0x41: {  	v9 =	vld [tilespmem:s19+$0x21A0];
	[tilespmem:s17+$0x1B0] =	vst v8;
	v6 =	vadd.f32 v6, v10  }
0x42: {  	v8 =	vld [tilespmem:s19+$0x21B0];
	[tilespmem:s17+$0x1C0] =	vst v7;
	v5 =	vadd.f32 v5, v11  }
0x43: {  	v7 =	vld [tilespmem:s19+$0x21C0];
	[tilespmem:s17+$0x1D0] =	vst v6;
	v4 =	vadd.f32 v4, v14  }
0x44: {  	v6 =	vld [tilespmem:s19+$0x21D0];
	[tilespmem:s17+$0x1E0] =	vst v5  }
0x45: {  	v5 =	vld [tilespmem:s19+$0x21E0];
	[tilespmem:s17+$0x1F0] =	vst v4;
	s17 =	smov.u32 s19  }
0x46: {  	v4 =	vld [tilespmem:s17+$0x21F0]  }
0x47: {  	v10 =	vld [tilespmem:s17+$0x180]  }
0x48: {  	v11 =	vld [tilespmem:s17+$0x190]  }
.Ltmp0:
0x49: {  	v14 =	vld [tilespmem:s17+$0x1A0];
	(pc) =	sbr.rel @p0 .LBB2_2-.Ltmp0, $4  }
0x4a: {  	v13 =	vld [tilespmem:s17+$0x1B0]  }
0x4b: {  	v12 =	vld [tilespmem:s17+$0x1C0]  }
0x4c: {  	v16 =	vadd.f32 v16, v10;
	v10 =	vld [tilespmem:s17+$0x1D0]  }
0x4d: {  	s18 =	sadd.s32 $0x200, s18;
	v15 =	vadd.f32 v15, v11;
	v11 =	vld [tilespmem:s17+$0x1E0]  }
0x4e: {  	[tilespmem:s17+$0x180] =	vst v16;
	v9 =	vadd.f32 v9, v14;
	v63 =	vld [tilespmem:s17+$0x1F0]  }
0x4f: {  	[tilespmem:s17+$0x190] =	vst v15;
	v8 =	vadd.f32 v8, v13  }
0x50: {  	[tilespmem:s17+$0x1A0] =	vst v9;
	v7 =	vadd.f32 v7, v12  }
0x51: {  	[tilespmem:s17+$0x1B0] =	vst v8;
	v6 =	vadd.f32 v6, v10  }
0x52: {  	[tilespmem:s17+$0x1C0] =	vst v7;
	v5 =	vadd.f32 v5, v11  }
0x53: {  	s16 =	sadd.s32 $0x1, s16;
	[tilespmem:s17+$0x1D0] =	vst v6;
	v4 =	vadd.f32 v4, v63  }
0x54: {  	p0 =	sne.s32 s16, s8;
	[tilespmem:s17+$0x1E0] =	vst v5  }
.Ltmp1:
0x55: {  	[tilespmem:s17+$0x1F0] =	vst v4;
	(pc) =	sbr.rel @p0 .LBB2_1-.Ltmp1, $4  }
0x56: {  	[hbm4b:s7+s2] =	stream.linear.scatter [tilespmem:s13], [sflag:$0x2], $0x2000, $0x38;
	[tilespmem:$0x4180] =	vst v63  }
0x57: {  	_ =	swait.ge [sflag:s9], $0x2000  }
0x58: {  	[sflag:s9] =	ssyncset.done $0x0  }
0x59: {  	[sflag:s9] =	ssyncadd.s32 $0xFFFFE000  }
0x5a: {  	_ =	sfence.sel $0x180000  }
0x5b: {  	[bflag:$0x0] =	sbarrier.arrive $0xFFFF  }
0x5c: {  	p0 =	sne.s32 s1, $0x0;
	_ =	strace $0x90000047  }
0x5d: {  	s0 =	sadd.s32 @!p0 $0x100000, s0;
	[bflag:$0x2] =	sbarrier.arrive $0xFFFF  }
0x5e: {  	[sflag:s0] =	ssyncadd.tile.s32 @!p0 $0x1;
	_ =	shalt  }
.Lfunc_end2:
_tile_overlayer_lowered:
.L_overlay_start_2:
0x5f: {  	(tag) =	ssettag $0x2  }
0x60: {  	s0 =	rddreg [dreg:$0x0];
	s2 =	stileid.u32  }
0x61: {  	s1 =	rddreg [dreg:$0x1];
	p0 =	sne.s32 s2, $0x0  }
0x62: {  	s3 =	rddreg [dreg:$0x2];
	[bflag:$0x3] =	sbarrier.arrive $0xFFFF;
	s2 =	simm.s32 @!p0 $0x1C02  }
0x63: {  	[timem:s3], [sflag:s2] =	dma.local @!p0 [hbm:s0], s1  }
0x64: {  	s0 =	simm.s32 @!p0 $0x2  }
0x65: {  	_ =	swait.ge @!p0 [sflag:s0], s1  }
0x66: {  	s1 =	ssub.s32 @!p0 $0x0, s1;
	[sflag:s0] =	ssyncset.done @!p0 $0x0  }
0x67: {  	[sflag:s0] =	ssyncadd.s32 @!p0 s1  }
0x68: {  	[bflag:$0x3] =	sbarrier.arrive $0xFFFF  }
0x69: {  	_ =	shalt  }

</sc_bundles>
